<compile_context>
chip_gen: v7x
topology: tpu7x:2x2x1
jax: 0.10.2.dev20260603
libtpu: 0.0.44.dev20260713+nightly
codegen_flags: <defaults>
</compile_context>

<pallas_src>
import functools

import jax
import jax.numpy as jnp
from jax import lax
from jax.experimental import pallas as pl
import jax.experimental.pallas.tpu as pltpu
from jax.experimental.pallas import tpu_sc as plsc

C = 384
QN, SN = 8, 16
HW = 64 * 64
Q_TOK = 8 * 16 * 16
S_TOK = 16 * 32 * 32 + 16 * 16 * 16
QB = 256
ST = 4096
CHUNK = 128
N_CHUNKS = S_TOK // CHUNK
KEEP = 16
ROWS_PER_W = Q_TOK // 32


def _pool_maps():
    hw = jnp.arange(HW)
    h, w = hw // 64, hw % 64
    tok_q = (h // 4) * 16 + (w // 4)
    tok_1 = (h // 2) * 32 + (w // 2)
    pq = (tok_q[:, None] == jnp.arange(256)[None, :]).astype(jnp.bfloat16) * jnp.bfloat16(1 / 16)
    p1 = (tok_1[:, None] == jnp.arange(1024)[None, :]).astype(jnp.bfloat16) * jnp.bfloat16(1 / 4)
    hw2 = jnp.arange(1024)
    h2, w2 = hw2 // 32, hw2 % 32
    tok_2 = (h2 // 2) * 16 + (w2 // 2)
    p2 = (tok_2[:, None] == jnp.arange(256)[None, :]).astype(jnp.bfloat16) * jnp.bfloat16(1 / 4)
    return pq, p1, p2


def _pool_body(xq_ref, xs_ref, pq_ref, p1_ref, p2_ref, qn_ref, o1_ref, o2_ref):
    n = pl.program_id(0)
    xs = xs_ref[0].astype(jnp.bfloat16)
    t1 = jnp.dot(xs, p1_ref[...], preferred_element_type=jnp.float32)
    t2 = jnp.dot(t1.astype(jnp.bfloat16), p2_ref[...],
                 preferred_element_type=jnp.float32)
    n1 = jnp.sum(t1 * t1, axis=0, keepdims=True)
    n2 = jnp.sum(t2 * t2, axis=0, keepdims=True)
    o1_ref[...] = (t1 * jax.lax.rsqrt(n1)).astype(jnp.bfloat16)
    o2_ref[...] = (t2 * jax.lax.rsqrt(n2)).astype(jnp.bfloat16)

    @pl.when(n < QN)
    def _():
        xq = xq_ref[0].astype(jnp.bfloat16)
        t = jnp.dot(xq, pq_ref[...], preferred_element_type=jnp.float32)
        nq = jnp.sum(t * t, axis=0, keepdims=True)
        qn_ref[...] = (t * jax.lax.rsqrt(nq)).astype(jnp.bfloat16)


def _main_body(qn_ref, sn_ref, sc_ref, g_ref, g_scr):
    st = pl.program_id(1)
    sc = jax.lax.dot_general(
        qn_ref[...], sn_ref[...],
        dimension_numbers=(((0,), (0,)), ((), ())),
        preferred_element_type=jnp.float32)
    sc_ref[...] = sc.reshape(QB, ST // CHUNK, CHUNK)
    cms = [jnp.max(sc[:, k * CHUNK:(k + 1) * CHUNK], axis=1, keepdims=True)
           for k in range(ST // CHUNK)]
    g_scr[st] = jnp.concatenate(cms, axis=1)

    @pl.when(st == (S_TOK // ST) - 1)
    def _():
        g_ref[...] = jnp.concatenate(
            [g_scr[i] for i in range(S_TOK // ST)], axis=1)


def _sc_gather_body(g_hbm, sc_hbm, out_hbm, g_v, idx_v, rows_v, sem):
    wid = lax.axis_index("s") * 2 + lax.axis_index("c")
    base = wid * ROWS_PER_W
    pltpu.sync_copy(g_hbm.at[pl.ds(base, ROWS_PER_W)], g_v)
    iota16 = lax.iota(jnp.int32, 16)

    def body(i, carry):
        tk, ti = plsc.sort_key_val(g_v[i, pl.ds(0, 16)], iota16)
        for k in range(1, N_CHUNKS // 16):
            vk, vi = plsc.sort_key_val(g_v[i, pl.ds(k * 16, 16)],
                                       iota16 + k * 16, descending=True)
            b = vk > tk
            nk = jnp.where(b, vk, tk)
            ni = jnp.where(b, vi, ti)
            tk, ti = plsc.sort_key_val(nk, ni)
        row = base + i
        idx_v[...] = ti + row * N_CHUNKS
        pltpu.async_copy(sc_hbm.at[idx_v], rows_v, sem).wait()
        pltpu.sync_copy(rows_v, out_hbm.at[row])
        return carry

    lax.fori_loop(0, ROWS_PER_W, body, 0)


def _extract_body(x_ref, out_ref):
    qb = pl.program_id(0)
    neg_inf = jnp.float32(-jnp.inf)
    v0 = jnp.max(jnp.max(x_ref[...], axis=2), axis=1, keepdims=True)

    def sweep(r, carry):
        v, s15, s4 = carry
        below = jnp.where(x_ref[...] < v[:, :, None], x_ref[...], neg_inf)
        nxt = jnp.max(jnp.max(below, axis=2), axis=1, keepdims=True)
        vs = jnp.maximum(v, -4.0)
        s15 = s15 + jnp.exp(vs - v0)
        s4 = s4 + jnp.where(r < 4, vs, 0.0)
        return (nxt, s15, s4)

    zero = jnp.zeros((QB, 1), jnp.float32)
    v14, s15, s4 = jax.lax.fori_loop(0, 14, sweep, (v0, zero, zero))
    s15 = s15 + jnp.exp(jnp.maximum(v14, -4.0) - v0)
    loss_rows = jnp.log(s15) - 0.25 * (s4 - 4.0 * v0)
    partial = (jnp.sum(loss_rows) / jnp.float32(Q_TOK)).reshape(1, 1)

    @pl.when(qb == 0)
    def _():
        out_ref[...] = partial

    @pl.when(qb != 0)
    def _():
        out_ref[...] = out_ref[...] + partial


@jax.jit
def kernel(q, S):
    pq, p1, p2 = _pool_maps()
    q3 = q.reshape(QN, C, HW)
    s3 = S.reshape(SN, C, HW)

    qn, s1n, s2n = pl.pallas_call(
        _pool_body,
        grid=(SN,),
        in_specs=[
            pl.BlockSpec((1, C, HW), lambda n: (jnp.minimum(n, QN - 1), 0, 0)),
            pl.BlockSpec((1, C, HW), lambda n: (n, 0, 0)),
            pl.BlockSpec((HW, 256), lambda n: (0, 0)),
            pl.BlockSpec((HW, 1024), lambda n: (0, 0)),
            pl.BlockSpec((1024, 256), lambda n: (0, 0)),
        ],
        out_specs=[
            pl.BlockSpec((C, 256), lambda n: (0, jnp.minimum(n, QN - 1))),
            pl.BlockSpec((C, 1024), lambda n: (0, n)),
            pl.BlockSpec((C, 256), lambda n: (0, n)),
        ],
        out_shape=[
            jax.ShapeDtypeStruct((C, Q_TOK), jnp.bfloat16),
            jax.ShapeDtypeStruct((C, SN * 1024), jnp.bfloat16),
            jax.ShapeDtypeStruct((C, SN * 256), jnp.bfloat16),
        ],
    )(q3, s3, pq, p1, p2)

    sn = jnp.concatenate([s1n, s2n], axis=1)

    scores, g = pl.pallas_call(
        _main_body,
        grid=(Q_TOK // QB, S_TOK // ST),
        in_specs=[
            pl.BlockSpec((C, QB), lambda qb, st: (0, qb)),
            pl.BlockSpec((C, ST), lambda qb, st: (0, st)),
        ],
        out_specs=[
            pl.BlockSpec((QB, ST // CHUNK, CHUNK), lambda qb, st: (qb, st, 0)),
            pl.BlockSpec((QB, N_CHUNKS), lambda qb, st: (qb, 0)),
        ],
        out_shape=[
            jax.ShapeDtypeStruct((Q_TOK, N_CHUNKS, CHUNK), jnp.float32),
            jax.ShapeDtypeStruct((Q_TOK, N_CHUNKS), jnp.float32),
        ],
        scratch_shapes=[pltpu.VMEM((S_TOK // ST, QB, ST // CHUNK), jnp.float32)],
    )(qn, sn)

    sc_table = scores.reshape(Q_TOK * N_CHUNKS, CHUNK)

    gather = functools.partial(
        pl.kernel,
        mesh=plsc.VectorSubcoreMesh(core_axis_name="c", subcore_axis_name="s"),
        out_type=jax.ShapeDtypeStruct((Q_TOK, KEEP, CHUNK), jnp.float32),
        scratch_types=[
            pltpu.VMEM((ROWS_PER_W, N_CHUNKS), jnp.float32),
            pltpu.VMEM((KEEP,), jnp.int32),
            pltpu.VMEM((KEEP, CHUNK), jnp.float32),
            pltpu.SemaphoreType.DMA,
        ],
        compiler_params=pltpu.CompilerParams(needs_layout_passes=False),
    )(_sc_gather_body)
    compact = gather(g, sc_table)

    out = pl.pallas_call(
        _extract_body,
        grid=(Q_TOK // QB,),
        in_specs=[pl.BlockSpec((QB, KEEP, CHUNK), lambda qb: (qb, 0, 0))],
        out_specs=pl.BlockSpec((1, 1), lambda qb: (0, 0)),
        out_shape=jax.ShapeDtypeStruct((1, 1), jnp.float32),
    )(compact)
    return out[0, 0]

# --- scband reference (transcript-rebuilt; emitter-appended) ---
"""Pipeline reference for scband-udasoft-label-multi-scale-v2-44547400794403 (READ-ONLY COPY).

The authoritative reference and input builder live on the scoring server;
editing this copy changes nothing except your own understanding.
"""

import jax, jax.numpy as jnp
import numpy as np


def _avgpool2d(x):
    # avg_pool2d(x, 2, 2) for NCHW with H, W divisible by 2
    N, C, H, W = x.shape
    return x.reshape(N, C, H // 2, 2, W // 2, 2).mean(axis=(3, 5))


def _avgpool(x, t):
    res = x
    for _ in range(t):
        res = _avgpool2d(res)
    return res


def setup_inputs(seed: int = 0) -> dict:
    key = jax.random.key(seed)
    k1, k2 = jax.random.split(key)
    q = jax.random.normal(k1, (8, 384, 64, 64), dtype=jnp.float32)
    S = jax.random.normal(k2, (16, 384, 64, 64), dtype=jnp.float32)
    return {"q": q, "S": S}


def reference(q, S):
    # torch.cat(S, 0) with S a one-element list [S] is identity
    pm, C, h, w = S.shape
    q_tok = _avgpool(q, 2).transpose(0, 2, 3, 1).reshape(-1, C)
    S_source = _avgpool(S, 2).transpose(0, 2, 3, 1).reshape(-1, C)
    S_all = jnp.concatenate(
        [_avgpool(S, 1).transpose(0, 2, 3, 1).reshape(-1, C), S_source], axis=0
    )
    # cosine similarity
    inner = jnp.einsum('ik,sk->is', q_tok, S_all)
    q2 = jnp.sqrt(jnp.einsum('ik,ik->i', q_tok, q_tok))
    p2 = jnp.sqrt(jnp.einsum('ik,ik->i', S_all, S_all))
    sim = inner / (q2[:, None] * p2[None, :])
    q2s, _ = jax.lax.top_k(sim, 15)
    all_similarity = jax.nn.softmax(q2s, axis=-1)
    topk_v, _ = jax.lax.top_k(all_similarity, 4)
    loss = -jnp.log(topk_v).mean(axis=-1).mean()
    return loss

if __name__ == "__main__":
    import jax
    _d = setup_inputs()
    print(jax.jit(kernel)(*tuple(_d.values())))

</pallas_src>

<mosaic_0001>
#map = affine_map<(d0, d1) -> (0, 0)>
#map1 = affine_map<(d0, d1) -> (0, 0, 0)>
module attributes {stable_mosaic.version = 14 : i64} {
  func.func @_sc_gather_body(%arg0: i32, %arg1: i32, %arg2: memref<2048x160xf32, #tpu.memory_space<hbm>>, %arg3: memref<327680x128xf32, #tpu.memory_space<hbm>>, %arg4: memref<2048x16x128xf32, #tpu.memory_space<hbm>>, %arg5: memref<64x160xf32, #tpu.memory_space<vmem>>, %arg6: memref<16xi32, #tpu.memory_space<vmem>>, %arg7: memref<16x128xf32, #tpu.memory_space<vmem>>, %arg8: memref<!tpu.dma_semaphore, #tpu.memory_space<semaphore_mem>>) attributes {dimension_semantics = [#tpu.dimension_semantics<core_parallel>, #tpu.dimension_semantics<subcore_parallel>], iteration_bounds = array<i64: 2, 16>, scalar_prefetch = 0 : i64, scratch_operands = 4 : i64, tpu.core_type = #tpu.core_type<sc_vector_subcore>, window_params = [{transform_indices = #map}, {transform_indices = #map}, {transform_indices = #map1}]} {
    %mul3A = arith.constant 2 : i32
    %mul3A_0 = arith.muli %arg1, %mul3A : i32
    %add3A = arith.addi %mul3A_0, %arg0 : i32
    %mul3A_1 = arith.constant 64 : i32
    %mul3A_2 = arith.muli %add3A, %mul3A_1 : i32
    "tpu.region"() ({
      %run_scoped3A = tpu.sem_alloc : memref<!tpu.dma_semaphore, #tpu.memory_space<semaphore_mem>>
      %dma_start3A = arith.constant 0 : i32
      %dma_start3A_8 = tpu.memref_slice %arg2[%mul3A_2, %dma_start3A] : memref<2048x160xf32, #tpu.memory_space<hbm>> -> memref<64x160xf32, #tpu.memory_space<hbm>>
      %dma_start3A_9 = arith.constant 0 : i32
      %dma_start3A_10 = tpu.memref_slice %arg2[%mul3A_2, %dma_start3A_9] : memref<2048x160xf32, #tpu.memory_space<hbm>> -> memref<64x160xf32, #tpu.memory_space<hbm>>
      tpu.enqueue_dma source(%dma_start3A_10 : memref<64x160xf32, #tpu.memory_space<hbm>>) target(%arg5 : memref<64x160xf32, #tpu.memory_space<vmem>>) target_semaphore(%run_scoped3A : memref<!tpu.dma_semaphore, #tpu.memory_space<semaphore_mem>>)
      %dma_wait3A = arith.constant 0 : i32
      %dma_wait3A_11 = tpu.memref_slice %arg2[%mul3A_2, %dma_wait3A] : memref<2048x160xf32, #tpu.memory_space<hbm>> -> memref<64x160xf32, #tpu.memory_space<hbm>>
      %dma_wait3A_12 = arith.constant 0 : i32
      %dma_wait3A_13 = tpu.memref_slice %arg2[%mul3A_2, %dma_wait3A_12] : memref<2048x160xf32, #tpu.memory_space<hbm>> -> memref<64x160xf32, #tpu.memory_space<hbm>>
      tpu.wait_dma2 semaphore(%run_scoped3A : memref<!tpu.dma_semaphore, #tpu.memory_space<semaphore_mem>>) src(%dma_wait3A_13 : memref<64x160xf32, #tpu.memory_space<hbm>>) dst(%arg5 : memref<64x160xf32, #tpu.memory_space<vmem>>)
      tpu.yield
    }) : () -> ()
    %iota3A = tpu.iota {dimensions = array<i32: 0>} : vector<16xi32>
    %scan3A = arith.constant 0 : i32
    %scan3A_3 = arith.constant 0 : i32
    %scan3A_4 = arith.constant 64 : i32
    %scan3A_5 = arith.addi %scan3A_3, %scan3A_4 : i32
    %scan3A_6 = arith.constant 1 : i32
    scf.for %scan3A_8 = %scan3A_3 to %scan3A_5 step %scan3A_6  : i32 {
      %get3A = arith.index_cast %scan3A_8 : i32 to index
      %get3A_9 = arith.constant 0 : index
      %get3A_10 = tpu.vector_load %arg5[%get3A, %get3A_9] {strides = array<i32>} : memref<64x160xf32, #tpu.memory_space<vmem>>, vector<16xf32>,
      %masked_sort3A = arith.constant dense<true> : vector<16xi1>
      %masked_sort3A_11, %masked_sort3A_12, %masked_sort3A_13 = tpu.sort %get3A_10, %iota3A masked %masked_sort3A : (vector<16xf32>, vector<16xi32>, vector<16xi1>) -> (vector<16xi1>, vector<16xf32>, vector<16xi32>)
      %get3A_14 = arith.index_cast %scan3A_8 : i32 to index
      %get3A_15 = arith.constant 16 : index
      %get3A_16 = tpu.vector_load %arg5[%get3A_14, %get3A_15] {strides = array<i32>} : memref<64x160xf32, #tpu.memory_space<vmem>>, vector<16xf32>,
      %add3A_17 = arith.constant 16 : i32
      %add3A_18 = vector.broadcast %add3A_17 : i32 to vector<16xi32>
      %add3A_19 = arith.addi %iota3A, %add3A_18 : vector<16xi32>
      %masked_sort3A_20 = arith.constant dense<true> : vector<16xi1>
      %masked_sort3A_21, %masked_sort3A_22, %masked_sort3A_23 = tpu.sort %get3A_16, %add3A_19 masked %masked_sort3A_20 {descending = true} : (vector<16xf32>, vector<16xi32>, vector<16xi1>) -> (vector<16xi1>, vector<16xf32>, vector<16xi32>)
      %gt3A = arith.cmpf ogt, %masked_sort3A_22, %masked_sort3A_12 : vector<16xf32>
      %select_n3A = arith.select %gt3A, %masked_sort3A_22, %masked_sort3A_12 : vector<16xi1>, vector<16xf32>
      %select_n3A_24 = arith.select %gt3A, %masked_sort3A_23, %masked_sort3A_13 : vector<16xi1>, vector<16xi32>
      %masked_sort3A_25 = arith.constant dense<true> : vector<16xi1>
      %masked_sort3A_26, %masked_sort3A_27, %masked_sort3A_28 = tpu.sort %select_n3A, %select_n3A_24 masked %masked_sort3A_25 : (vector<16xf32>, vector<16xi32>, vector<16xi1>) -> (vector<16xi1>, vector<16xf32>, vector<16xi32>)
      %get3A_29 = arith.index_cast %scan3A_8 : i32 to index
      %get3A_30 = arith.constant 32 : index
      %get3A_31 = tpu.vector_load %arg5[%get3A_29, %get3A_30] {strides = array<i32>} : memref<64x160xf32, #tpu.memory_space<vmem>>, vector<16xf32>,
      %add3A_32 = arith.constant 32 : i32
      %add3A_33 = vector.broadcast %add3A_32 : i32 to vector<16xi32>
      %add3A_34 = arith.addi %iota3A, %add3A_33 : vector<16xi32>
      %masked_sort3A_35 = arith.constant dense<true> : vector<16xi1>
      %masked_sort3A_36, %masked_sort3A_37, %masked_sort3A_38 = tpu.sort %get3A_31, %add3A_34 masked %masked_sort3A_35 {descending = true} : (vector<16xf32>, vector<16xi32>, vector<16xi1>) -> (vector<16xi1>, vector<16xf32>, vector<16xi32>)
      %gt3A_39 = arith.cmpf ogt, %masked_sort3A_37, %masked_sort3A_27 : vector<16xf32>
      %select_n3A_40 = arith.select %gt3A_39, %masked_sort3A_37, %masked_sort3A_27 : vector<16xi1>, vector<16xf32>
      %select_n3A_41 = arith.select %gt3A_39, %masked_sort3A_38, %masked_sort3A_28 : vector<16xi1>, vector<16xi32>
      %masked_sort3A_42 = arith.constant dense<true> : vector<16xi1>
      %masked_sort3A_43, %masked_sort3A_44, %masked_sort3A_45 = tpu.sort %select_n3A_40, %select_n3A_41 masked %masked_sort3A_42 : (vector<16xf32>, vector<16xi32>, vector<16xi1>) -> (vector<16xi1>, vector<16xf32>, vector<16xi32>)
      %get3A_46 = arith.index_cast %scan3A_8 : i32 to index
      %get3A_47 = arith.constant 48 : index
      %get3A_48 = tpu.vector_load %arg5[%get3A_46, %get3A_47] {strides = array<i32>} : memref<64x160xf32, #tpu.memory_space<vmem>>, vector<16xf32>,
      %add3A_49 = arith.constant 48 : i32
      %add3A_50 = vector.broadcast %add3A_49 : i32 to vector<16xi32>
      %add3A_51 = arith.addi %iota3A, %add3A_50 : vector<16xi32>
      %masked_sort3A_52 = arith.constant dense<true> : vector<16xi1>
      %masked_sort3A_53, %masked_sort3A_54, %masked_sort3A_55 = tpu.sort %get3A_48, %add3A_51 masked %masked_sort3A_52 {descending = true} : (vector<16xf32>, vector<16xi32>, vector<16xi1>) -> (vector<16xi1>, vector<16xf32>, vector<16xi32>)
      %gt3A_56 = arith.cmpf ogt, %masked_sort3A_54, %masked_sort3A_44 : vector<16xf32>
      %select_n3A_57 = arith.select %gt3A_56, %masked_sort3A_54, %masked_sort3A_44 : vector<16xi1>, vector<16xf32>
      %select_n3A_58 = arith.select %gt3A_56, %masked_sort3A_55, %masked_sort3A_45 : vector<16xi1>, vector<16xi32>
      %masked_sort3A_59 = arith.constant dense<true> : vector<16xi1>
      %masked_sort3A_60, %masked_sort3A_61, %masked_sort3A_62 = tpu.sort %select_n3A_57, %select_n3A_58 masked %masked_sort3A_59 : (vector<16xf32>, vector<16xi32>, vector<16xi1>) -> (vector<16xi1>, vector<16xf32>, vector<16xi32>)
      %get3A_63 = arith.index_cast %scan3A_8 : i32 to index
      %get3A_64 = arith.constant 64 : index
      %get3A_65 = tpu.vector_load %arg5[%get3A_63, %get3A_64] {strides = array<i32>} : memref<64x160xf32, #tpu.memory_space<vmem>>, vector<16xf32>,
      %add3A_66 = arith.constant 64 : i32
      %add3A_67 = vector.broadcast %add3A_66 : i32 to vector<16xi32>
      %add3A_68 = arith.addi %iota3A, %add3A_67 : vector<16xi32>
      %masked_sort3A_69 = arith.constant dense<true> : vector<16xi1>
      %masked_sort3A_70, %masked_sort3A_71, %masked_sort3A_72 = tpu.sort %get3A_65, %add3A_68 masked %masked_sort3A_69 {descending = true} : (vector<16xf32>, vector<16xi32>, vector<16xi1>) -> (vector<16xi1>, vector<16xf32>, vector<16xi32>)
      %gt3A_73 = arith.cmpf ogt, %masked_sort3A_71, %masked_sort3A_61 : vector<16xf32>
      %select_n3A_74 = arith.select %gt3A_73, %masked_sort3A_71, %masked_sort3A_61 : vector<16xi1>, vector<16xf32>
      %select_n3A_75 = arith.select %gt3A_73, %masked_sort3A_72, %masked_sort3A_62 : vector<16xi1>, vector<16xi32>
      %masked_sort3A_76 = arith.constant dense<true> : vector<16xi1>
      %masked_sort3A_77, %masked_sort3A_78, %masked_sort3A_79 = tpu.sort %select_n3A_74, %select_n3A_75 masked %masked_sort3A_76 : (vector<16xf32>, vector<16xi32>, vector<16xi1>) -> (vector<16xi1>, vector<16xf32>, vector<16xi32>)
      %get3A_80 = arith.index_cast %scan3A_8 : i32 to index
      %get3A_81 = arith.constant 80 : index
      %get3A_82 = tpu.vector_load %arg5[%get3A_80, %get3A_81] {strides = array<i32>} : memref<64x160xf32, #tpu.memory_space<vmem>>, vector<16xf32>,
      %add3A_83 = arith.constant 80 : i32
      %add3A_84 = vector.broadcast %add3A_83 : i32 to vector<16xi32>
      %add3A_85 = arith.addi %iota3A, %add3A_84 : vector<16xi32>
      %masked_sort3A_86 = arith.constant dense<true> : vector<16xi1>
      %masked_sort3A_87, %masked_sort3A_88, %masked_sort3A_89 = tpu.sort %get3A_82, %add3A_85 masked %masked_sort3A_86 {descending = true} : (vector<16xf32>, vector<16xi32>, vector<16xi1>) -> (vector<16xi1>, vector<16xf32>, vector<16xi32>)
      %gt3A_90 = arith.cmpf ogt, %masked_sort3A_88, %masked_sort3A_78 : vector<16xf32>
      %select_n3A_91 = arith.select %gt3A_90, %masked_sort3A_88, %masked_sort3A_78 : vector<16xi1>, vector<16xf32>
      %select_n3A_92 = arith.select %gt3A_90, %masked_sort3A_89, %masked_sort3A_79 : vector<16xi1>, vector<16xi32>
      %masked_sort3A_93 = arith.constant dense<true> : vector<16xi1>
      %masked_sort3A_94, %masked_sort3A_95, %masked_sort3A_96 = tpu.sort %select_n3A_91, %select_n3A_92 masked %masked_sort3A_93 : (vector<16xf32>, vector<16xi32>, vector<16xi1>) -> (vector<16xi1>, vector<16xf32>, vector<16xi32>)
      %get3A_97 = arith.index_cast %scan3A_8 : i32 to index
      %get3A_98 = arith.constant 96 : index
      %get3A_99 = tpu.vector_load %arg5[%get3A_97, %get3A_98] {strides = array<i32>} : memref<64x160xf32, #tpu.memory_space<vmem>>, vector<16xf32>,
      %add3A_100 = arith.constant 96 : i32
      %add3A_101 = vector.broadcast %add3A_100 : i32 to vector<16xi32>
      %add3A_102 = arith.addi %iota3A, %add3A_101 : vector<16xi32>
      %masked_sort3A_103 = arith.constant dense<true> : vector<16xi1>
      %masked_sort3A_104, %masked_sort3A_105, %masked_sort3A_106 = tpu.sort %get3A_99, %add3A_102 masked %masked_sort3A_103 {descending = true} : (vector<16xf32>, vector<16xi32>, vector<16xi1>) -> (vector<16xi1>, vector<16xf32>, vector<16xi32>)
      %gt3A_107 = arith.cmpf ogt, %masked_sort3A_105, %masked_sort3A_95 : vector<16xf32>
      %select_n3A_108 = arith.select %gt3A_107, %masked_sort3A_105, %masked_sort3A_95 : vector<16xi1>, vector<16xf32>
      %select_n3A_109 = arith.select %gt3A_107, %masked_sort3A_106, %masked_sort3A_96 : vector<16xi1>, vector<16xi32>
      %masked_sort3A_110 = arith.constant dense<true> : vector<16xi1>
      %masked_sort3A_111, %masked_sort3A_112, %masked_sort3A_113 = tpu.sort %select_n3A_108, %select_n3A_109 masked %masked_sort3A_110 : (vector<16xf32>, vector<16xi32>, vector<16xi1>) -> (vector<16xi1>, vector<16xf32>, vector<16xi32>)
      %get3A_114 = arith.index_cast %scan3A_8 : i32 to index
      %get3A_115 = arith.constant 112 : index
      %get3A_116 = tpu.vector_load %arg5[%get3A_114, %get3A_115] {strides = array<i32>} : memref<64x160xf32, #tpu.memory_space<vmem>>, vector<16xf32>,
      %add3A_117 = arith.constant 112 : i32
      %add3A_118 = vector.broadcast %add3A_117 : i32 to vector<16xi32>
      %add3A_119 = arith.addi %iota3A, %add3A_118 : vector<16xi32>
      %masked_sort3A_120 = arith.constant dense<true> : vector<16xi1>
      %masked_sort3A_121, %masked_sort3A_122, %masked_sort3A_123 = tpu.sort %get3A_116, %add3A_119 masked %masked_sort3A_120 {descending = true} : (vector<16xf32>, vector<16xi32>, vector<16xi1>) -> (vector<16xi1>, vector<16xf32>, vector<16xi32>)
      %gt3A_124 = arith.cmpf ogt, %masked_sort3A_122, %masked_sort3A_112 : vector<16xf32>
      %select_n3A_125 = arith.select %gt3A_124, %masked_sort3A_122, %masked_sort3A_112 : vector<16xi1>, vector<16xf32>
      %select_n3A_126 = arith.select %gt3A_124, %masked_sort3A_123, %masked_sort3A_113 : vector<16xi1>, vector<16xi32>
      %masked_sort3A_127 = arith.constant dense<true> : vector<16xi1>
      %masked_sort3A_128, %masked_sort3A_129, %masked_sort3A_130 = tpu.sort %select_n3A_125, %select_n3A_126 masked %masked_sort3A_127 : (vector<16xf32>, vector<16xi32>, vector<16xi1>) -> (vector<16xi1>, vector<16xf32>, vector<16xi32>)
      %get3A_131 = arith.index_cast %scan3A_8 : i32 to index
      %get3A_132 = arith.constant 128 : index
      %get3A_133 = tpu.vector_load %arg5[%get3A_131, %get3A_132] {strides = array<i32>} : memref<64x160xf32, #tpu.memory_space<vmem>>, vector<16xf32>,
      %add3A_134 = arith.constant 128 : i32
      %add3A_135 = vector.broadcast %add3A_134 : i32 to vector<16xi32>
      %add3A_136 = arith.addi %iota3A, %add3A_135 : vector<16xi32>
      %masked_sort3A_137 = arith.constant dense<true> : vector<16xi1>
      %masked_sort3A_138, %masked_sort3A_139, %masked_sort3A_140 = tpu.sort %get3A_133, %add3A_136 masked %masked_sort3A_137 {descending = true} : (vector<16xf32>, vector<16xi32>, vector<16xi1>) -> (vector<16xi1>, vector<16xf32>, vector<16xi32>)
      %gt3A_141 = arith.cmpf ogt, %masked_sort3A_139, %masked_sort3A_129 : vector<16xf32>
      %select_n3A_142 = arith.select %gt3A_141, %masked_sort3A_139, %masked_sort3A_129 : vector<16xi1>, vector<16xf32>
      %select_n3A_143 = arith.select %gt3A_141, %masked_sort3A_140, %masked_sort3A_130 : vector<16xi1>, vector<16xi32>
      %masked_sort3A_144 = arith.constant dense<true> : vector<16xi1>
      %masked_sort3A_145, %masked_sort3A_146, %masked_sort3A_147 = tpu.sort %select_n3A_142, %select_n3A_143 masked %masked_sort3A_144 : (vector<16xf32>, vector<16xi32>, vector<16xi1>) -> (vector<16xi1>, vector<16xf32>, vector<16xi32>)
      %get3A_148 = arith.index_cast %scan3A_8 : i32 to index
      %get3A_149 = arith.constant 144 : index
      %get3A_150 = tpu.vector_load %arg5[%get3A_148, %get3A_149] {strides = array<i32>} : memref<64x160xf32, #tpu.memory_space<vmem>>, vector<16xf32>,
      %add3A_151 = arith.constant 144 : i32
      %add3A_152 = vector.broadcast %add3A_151 : i32 to vector<16xi32>
      %add3A_153 = arith.addi %iota3A, %add3A_152 : vector<16xi32>
      %masked_sort3A_154 = arith.constant dense<true> : vector<16xi1>
      %masked_sort3A_155, %masked_sort3A_156, %masked_sort3A_157 = tpu.sort %get3A_150, %add3A_153 masked %masked_sort3A_154 {descending = true} : (vector<16xf32>, vector<16xi32>, vector<16xi1>) -> (vector<16xi1>, vector<16xf32>, vector<16xi32>)
      %gt3A_158 = arith.cmpf ogt, %masked_sort3A_156, %masked_sort3A_146 : vector<16xf32>
      %select_n3A_159 = arith.select %gt3A_158, %masked_sort3A_156, %masked_sort3A_146 : vector<16xi1>, vector<16xf32>
      %select_n3A_160 = arith.select %gt3A_158, %masked_sort3A_157, %masked_sort3A_147 : vector<16xi1>, vector<16xi32>
      %masked_sort3A_161 = arith.constant dense<true> : vector<16xi1>
      %masked_sort3A_162, %masked_sort3A_163, %masked_sort3A_164 = tpu.sort %select_n3A_159, %select_n3A_160 masked %masked_sort3A_161 : (vector<16xf32>, vector<16xi32>, vector<16xi1>) -> (vector<16xi1>, vector<16xf32>, vector<16xi32>)
      %add3A_165 = arith.addi %mul3A_2, %scan3A_8 : i32
      %mul3A_166 = arith.constant 160 : i32
      %mul3A_167 = arith.muli %add3A_165, %mul3A_166 : i32
      %add3A_168 = vector.broadcast %mul3A_167 : i32 to vector<16xi32>
      %add3A_169 = arith.addi %masked_sort3A_164, %add3A_168 : vector<16xi32>
      %swap3A = arith.constant 0 : index
      %swap3A_170 = tpu.vector_load %arg6[%swap3A] {strides = array<i32>} : memref<16xi32, #tpu.memory_space<vmem>>, vector<16xi32>,
      tpu.vector_store %arg6[%swap3A], %add3A_169 {strides = array<i32>} : memref<16xi32, #tpu.memory_space<vmem>>, vector<16xi32>,
      %dma_start3A = arith.constant 0 : i32
      %dma_start3A_171 = arith.constant 0 : i32
      %dma_start3A_172 = tpu.memref_slice %arg3[%dma_start3A, %dma_start3A_171] : memref<327680x128xf32, #tpu.memory_space<hbm>> -> memref<327680x128xf32, #tpu.memory_space<hbm>>
      tpu.enqueue_indirect_dma source(%dma_start3A_172 : memref<327680x128xf32, #tpu.memory_space<hbm>>) target(%arg7 : memref<16x128xf32, #tpu.memory_space<vmem>>) offsets(%arg6 : memref<16xi32, #tpu.memory_space<vmem>>) semaphore(%arg8 : memref<!tpu.dma_semaphore, #tpu.memory_space<semaphore_mem>>)
      %dma_wait3A = arith.constant 0 : i32
      %dma_wait3A_173 = arith.constant 0 : i32
      %dma_wait3A_174 = tpu.memref_slice %arg3[%dma_wait3A, %dma_wait3A_173] : memref<327680x128xf32, #tpu.memory_space<hbm>> -> memref<327680x128xf32, #tpu.memory_space<hbm>>
      tpu.wait_indirect_dma semaphore(%arg8 : memref<!tpu.dma_semaphore, #tpu.memory_space<semaphore_mem>>) src(%dma_wait3A_174 : memref<327680x128xf32, #tpu.memory_space<hbm>>) dst(%arg7 : memref<16x128xf32, #tpu.memory_space<vmem>>)
      "tpu.region"() ({
        %run_scoped3A = tpu.sem_alloc : memref<!tpu.dma_semaphore, #tpu.memory_space<semaphore_mem>>
        %dma_start3A_175 = arith.constant 0 : i32
        %dma_start3A_176 = arith.constant 0 : i32
        %dma_start3A_177 = tpu.memref_slice %arg4[%add3A_165, %dma_start3A_175, %dma_start3A_176] : memref<2048x16x128xf32, #tpu.memory_space<hbm>> -> memref<1x16x128xf32, #tpu.memory_space<hbm>>
        %dma_start3A_178 = tpu.memref_squeeze %dma_start3A_177 : memref<1x16x128xf32, #tpu.memory_space<hbm>> -> memref<16x128xf32, #tpu.memory_space<hbm>>
        %dma_start3A_179 = arith.constant 0 : i32
        %dma_start3A_180 = arith.constant 0 : i32
        %dma_start3A_181 = tpu.memref_slice %arg4[%add3A_165, %dma_start3A_179, %dma_start3A_180] : memref<2048x16x128xf32, #tpu.memory_space<hbm>> -> memref<1x16x128xf32, #tpu.memory_space<hbm>>
        %dma_start3A_182 = tpu.memref_squeeze %dma_start3A_181 : memref<1x16x128xf32, #tpu.memory_space<hbm>> -> memref<16x128xf32, #tpu.memory_space<hbm>>
        tpu.enqueue_dma source(%arg7 : memref<16x128xf32, #tpu.memory_space<vmem>>) target(%dma_start3A_182 : memref<16x128xf32, #tpu.memory_space<hbm>>) target_semaphore(%run_scoped3A : memref<!tpu.dma_semaphore, #tpu.memory_space<semaphore_mem>>)
        %dma_wait3A_183 = arith.constant 0 : i32
        %dma_wait3A_184 = arith.constant 0 : i32
        %dma_wait3A_185 = tpu.memref_slice %arg4[%add3A_165, %dma_wait3A_183, %dma_wait3A_184] : memref<2048x16x128xf32, #tpu.memory_space<hbm>> -> memref<1x16x128xf32, #tpu.memory_space<hbm>>
        %dma_wait3A_186 = tpu.memref_squeeze %dma_wait3A_185 : memref<1x16x128xf32, #tpu.memory_space<hbm>> -> memref<16x128xf32, #tpu.memory_space<hbm>>
        %dma_wait3A_187 = arith.constant 0 : i32
        %dma_wait3A_188 = arith.constant 0 : i32
        %dma_wait3A_189 = tpu.memref_slice %arg4[%add3A_165, %dma_wait3A_187, %dma_wait3A_188] : memref<2048x16x128xf32, #tpu.memory_space<hbm>> -> memref<1x16x128xf32, #tpu.memory_space<hbm>>
        %dma_wait3A_190 = tpu.memref_squeeze %dma_wait3A_189 : memref<1x16x128xf32, #tpu.memory_space<hbm>> -> memref<16x128xf32, #tpu.memory_space<hbm>>
        tpu.wait_dma2 semaphore(%run_scoped3A : memref<!tpu.dma_semaphore, #tpu.memory_space<semaphore_mem>>) src(%arg7 : memref<16x128xf32, #tpu.memory_space<vmem>>) dst(%dma_wait3A_190 : memref<16x128xf32, #tpu.memory_space<hbm>>)
        tpu.yield
      }) : () -> ()
    }
    %scan3A_7 = arith.constant 64 : i32
    return
  }
}

module attributes {stable_mosaic.version = 14 : i64} {
  func.func @_pool_body(%arg0: i32, %arg1: memref<1x384x4096xf32, #tpu.memory_space<vmem>>, %arg2: memref<1x384x4096xf32, #tpu.memory_space<vmem>>, %arg3: memref<4096x256xbf16, #tpu.memory_space<vmem>>, %arg4: memref<4096x1024xbf16, #tpu.memory_space<vmem>>, %arg5: memref<1024x256xbf16, #tpu.memory_space<vmem>>, %arg6: memref<384x256xbf16, #tpu.memory_space<vmem>>, %arg7: memref<384x1024xbf16, #tpu.memory_space<vmem>>, %arg8: memref<384x256xbf16, #tpu.memory_space<vmem>>) attributes {dimension_semantics = [#tpu.dimension_semantics<arbitrary>], iteration_bounds = array<i64: 16>, scalar_prefetch = 0 : i64, scratch_operands = 0 : i64, tpu.core_type = #tpu.core_type<tc>, window_params = [{transform_indices = @transform_0, window_bounds = array<i64: 1, 384, 4096>}, {transform_indices = @transform_1, window_bounds = array<i64: 1, 384, 4096>}, {pipeline_mode = #tpu.pipeline_mode<synchronous>, transform_indices = @transform_2, window_bounds = array<i64: 4096, 256>}, {pipeline_mode = #tpu.pipeline_mode<synchronous>, transform_indices = @transform_3, window_bounds = array<i64: 4096, 1024>}, {pipeline_mode = #tpu.pipeline_mode<synchronous>, transform_indices = @transform_4, window_bounds = array<i64: 1024, 256>}, {transform_indices = @transform_5, window_bounds = array<i64: 384, 256>}, {transform_indices = @transform_6, window_bounds = array<i64: 384, 1024>}, {transform_indices = @transform_7, window_bounds = array<i64: 384, 256>}]} {
    %get3A = arith.constant 0 : index
    %get3A_0 = arith.constant 0 : index
    %get3A_1 = arith.constant 0 : index
    %get3A_2 = vector.load %arg2[%get3A, %get3A_0, %get3A_1] : memref<1x384x4096xf32, #tpu.memory_space<vmem>>, vector<1x384x4096xf32>
    %get3A_3 = vector.shape_cast %get3A_2 : vector<1x384x4096xf32> to vector<384x4096xf32>
    %convert_element_type3A = arith.truncf %get3A_3 : vector<384x4096xf32> to vector<384x4096xbf16>
    %get3A_4 = arith.constant 0 : index
    %get3A_5 = arith.constant 0 : index
    %get3A_6 = vector.load %arg4[%get3A_4, %get3A_5] : memref<4096x1024xbf16, #tpu.memory_space<vmem>>, vector<4096x1024xbf16>
    %dot_general3A = arith.constant dense<0.000000e+00> : vector<384x1024xf32>
    %dot_general3A_7 = tpu.matmul %convert_element_type3A, %get3A_6, %dot_general3A {dimension_numbers = #tpu.dot_dimension_numbers<[1], [0], [0], [1], [0, 0, 1, 1], [], []>, transpose_lhs_hint = false} : vector<384x4096xbf16>, vector<4096x1024xbf16>, vector<384x1024xf32> -> vector<384x1024xf32>
    %convert_element_type3A_8 = arith.truncf %dot_general3A_7 : vector<384x1024xf32> to vector<384x1024xbf16>
    %get3A_9 = arith.constant 0 : index
    %get3A_10 = arith.constant 0 : index
    %get3A_11 = vector.load %arg5[%get3A_9, %get3A_10] : memref<1024x256xbf16, #tpu.memory_space<vmem>>, vector<1024x256xbf16>
    %dot_general3A_12 = arith.constant dense<0.000000e+00> : vector<384x256xf32>
    %dot_general3A_13 = tpu.matmul %convert_element_type3A_8, %get3A_11, %dot_general3A_12 {dimension_numbers = #tpu.dot_dimension_numbers<[1], [0], [0], [1], [0, 0, 1, 1], [], []>, transpose_lhs_hint = false} : vector<384x1024xbf16>, vector<1024x256xbf16>, vector<384x256xf32> -> vector<384x256xf32>
    %mul3A = arith.mulf %dot_general3A_7, %dot_general3A_7 : vector<384x1024xf32>
    %reduce_sum3A = arith.constant dense<0.000000e+00> : vector<1024xf32>
    %reduce_sum3A_14 = vector.multi_reduction <add>, %mul3A, %reduce_sum3A [0] : vector<384x1024xf32> to vector<1024xf32>
    %broadcast_in_dim3A = vector.shape_cast %reduce_sum3A_14 : vector<1024xf32> to vector<1x1024xf32>
    %mul3A_15 = arith.mulf %dot_general3A_13, %dot_general3A_13 : vector<384x256xf32>
    %reduce_sum3A_16 = arith.constant dense<0.000000e+00> : vector<256xf32>
    %reduce_sum3A_17 = vector.multi_reduction <add>, %mul3A_15, %reduce_sum3A_16 [0] : vector<384x256xf32> to vector<256xf32>
    %broadcast_in_dim3A_18 = vector.shape_cast %reduce_sum3A_17 : vector<256xf32> to vector<1x256xf32>
    %rsqrt3A = math.rsqrt %broadcast_in_dim3A : vector<1x1024xf32>
    %mul3A_19 = vector.broadcast %rsqrt3A : vector<1x1024xf32> to vector<384x1024xf32>
    %mul3A_20 = arith.mulf %dot_general3A_7, %mul3A_19 : vector<384x1024xf32>
    %convert_element_type3A_21 = arith.truncf %mul3A_20 : vector<384x1024xf32> to vector<384x1024xbf16>
    %swap3A = arith.constant 0 : index
    %swap3A_22 = arith.constant 0 : index
    %swap3A_23 = vector.load %arg7[%swap3A, %swap3A_22] : memref<384x1024xbf16, #tpu.memory_space<vmem>>, vector<384x1024xbf16>
    tpu.vector_store %arg7[%swap3A, %swap3A_22], %convert_element_type3A_21 {strides = array<i32>} : memref<384x1024xbf16, #tpu.memory_space<vmem>>, vector<384x1024xbf16>,
    %rsqrt3A_24 = math.rsqrt %broadcast_in_dim3A_18 : vector<1x256xf32>
    %mul3A_25 = vector.broadcast %rsqrt3A_24 : vector<1x256xf32> to vector<384x256xf32>
    %mul3A_26 = arith.mulf %dot_general3A_13, %mul3A_25 : vector<384x256xf32>
    %convert_element_type3A_27 = arith.truncf %mul3A_26 : vector<384x256xf32> to vector<384x256xbf16>
    %swap3A_28 = arith.constant 0 : index
    %swap3A_29 = arith.constant 0 : index
    %swap3A_30 = vector.load %arg8[%swap3A_28, %swap3A_29] : memref<384x256xbf16, #tpu.memory_space<vmem>>, vector<384x256xbf16>
    tpu.vector_store %arg8[%swap3A_28, %swap3A_29], %convert_element_type3A_27 {strides = array<i32>} : memref<384x256xbf16, #tpu.memory_space<vmem>>, vector<384x256xbf16>,
    %lt3A = arith.constant 8 : i32
    %lt3A_31 = arith.cmpi slt, %arg0, %lt3A : i32
    %convert_element_type3A_32 = arith.extui %lt3A_31 : i1 to i32
    %cond3A = arith.constant 0 : i32
    %cond3A_33 = arith.cmpi ne, %convert_element_type3A_32, %cond3A : i32
    scf.if %cond3A_33 {
      %get3A_34 = arith.constant 0 : index
      %get3A_35 = arith.constant 0 : index
      %get3A_36 = arith.constant 0 : index
      %get3A_37 = vector.load %arg1[%get3A_34, %get3A_35, %get3A_36] : memref<1x384x4096xf32, #tpu.memory_space<vmem>>, vector<1x384x4096xf32>
      %get3A_38 = vector.shape_cast %get3A_37 : vector<1x384x4096xf32> to vector<384x4096xf32>
      %convert_element_type3A_39 = arith.truncf %get3A_38 : vector<384x4096xf32> to vector<384x4096xbf16>
      %get3A_40 = arith.constant 0 : index
      %get3A_41 = arith.constant 0 : index
      %get3A_42 = vector.load %arg3[%get3A_40, %get3A_41] : memref<4096x256xbf16, #tpu.memory_space<vmem>>, vector<4096x256xbf16>
      %dot_general3A_43 = arith.constant dense<0.000000e+00> : vector<384x256xf32>
      %dot_general3A_44 = tpu.matmul %convert_element_type3A_39, %get3A_42, %dot_general3A_43 {dimension_numbers = #tpu.dot_dimension_numbers<[1], [0], [0], [1], [0, 0, 1, 1], [], []>, transpose_lhs_hint = false} : vector<384x4096xbf16>, vector<4096x256xbf16>, vector<384x256xf32> -> vector<384x256xf32>
      %mul3A_45 = arith.mulf %dot_general3A_44, %dot_general3A_44 : vector<384x256xf32>
      %reduce_sum3A_46 = arith.constant dense<0.000000e+00> : vector<256xf32>
      %reduce_sum3A_47 = vector.multi_reduction <add>, %mul3A_45, %reduce_sum3A_46 [0] : vector<384x256xf32> to vector<256xf32>
      %broadcast_in_dim3A_48 = vector.shape_cast %reduce_sum3A_47 : vector<256xf32> to vector<1x256xf32>
      %rsqrt3A_49 = math.rsqrt %broadcast_in_dim3A_48 : vector<1x256xf32>
      %mul3A_50 = vector.broadcast %rsqrt3A_49 : vector<1x256xf32> to vector<384x256xf32>
      %mul3A_51 = arith.mulf %dot_general3A_44, %mul3A_50 : vector<384x256xf32>
      %convert_element_type3A_52 = arith.truncf %mul3A_51 : vector<384x256xf32> to vector<384x256xbf16>
      %swap3A_53 = arith.constant 0 : index
      %swap3A_54 = arith.constant 0 : index
      %swap3A_55 = vector.load %arg6[%swap3A_53, %swap3A_54] : memref<384x256xbf16, #tpu.memory_space<vmem>>, vector<384x256xbf16>
      tpu.vector_store %arg6[%swap3A_53, %swap3A_54], %convert_element_type3A_52 {strides = array<i32>} : memref<384x256xbf16, #tpu.memory_space<vmem>>, vector<384x256xbf16>,
    } else {
    }
    return
  }
  func.func @transform_0(%arg0: i32) -> (i32, i32, i32) {
    %min3A = arith.constant 7 : i32
    %min3A_0 = arith.minsi %arg0, %min3A : i32
    %c0_i32 = arith.constant 0 : i32
    %c0_i32_1 = arith.constant 0 : i32
    %c0_i32_2 = arith.constant 0 : i32
    return %min3A_0, %c0_i32, %c0_i32_1 : i32, i32, i32
  }
  func.func @transform_1(%arg0: i32) -> (i32, i32, i32) {
    %c0_i32 = arith.constant 0 : i32
    %c0_i32_0 = arith.constant 0 : i32
    %c0_i32_1 = arith.constant 0 : i32
    return %arg0, %c0_i32, %c0_i32_0 : i32, i32, i32
  }
  func.func @transform_2(%arg0: i32) -> (i32, i32) {
    %c0_i32 = arith.constant 0 : i32
    %c0_i32_0 = arith.constant 0 : i32
    %c0_i32_1 = arith.constant 0 : i32
    return %c0_i32, %c0_i32_0 : i32, i32
  }
  func.func @transform_3(%arg0: i32) -> (i32, i32) {
    %c0_i32 = arith.constant 0 : i32
    %c0_i32_0 = arith.constant 0 : i32
    %c0_i32_1 = arith.constant 0 : i32
    return %c0_i32, %c0_i32_0 : i32, i32
  }
  func.func @transform_4(%arg0: i32) -> (i32, i32) {
    %c0_i32 = arith.constant 0 : i32
    %c0_i32_0 = arith.constant 0 : i32
    %c0_i32_1 = arith.constant 0 : i32
    return %c0_i32, %c0_i32_0 : i32, i32
  }
  func.func @transform_5(%arg0: i32) -> (i32, i32) {
    %min3A = arith.constant 7 : i32
    %min3A_0 = arith.minsi %arg0, %min3A : i32
    %c0_i32 = arith.constant 0 : i32
    %c0_i32_1 = arith.constant 0 : i32
    return %c0_i32, %min3A_0 : i32, i32
  }
  func.func @transform_6(%arg0: i32) -> (i32, i32) {
    %c0_i32 = arith.constant 0 : i32
    %c0_i32_0 = arith.constant 0 : i32
    return %c0_i32, %arg0 : i32, i32
  }
  func.func @transform_7(%arg0: i32) -> (i32, i32) {
    %c0_i32 = arith.constant 0 : i32
    %c0_i32_0 = arith.constant 0 : i32
    return %c0_i32, %arg0 : i32, i32
  }
}

module attributes {stable_mosaic.version = 14 : i64} {
  func.func @_main_body(%arg0: i32, %arg1: i32, %arg2: memref<384x256xbf16, #tpu.memory_space<vmem>>, %arg3: memref<384x4096xbf16, #tpu.memory_space<vmem>>, %arg4: memref<256x32x128xf32, #tpu.memory_space<vmem>>, %arg5: memref<256x160xf32, #tpu.memory_space<vmem>>, %arg6: memref<5x256x32xf32, #tpu.memory_space<vmem>>) attributes {dimension_semantics = [#tpu.dimension_semantics<arbitrary>, #tpu.dimension_semantics<arbitrary>], iteration_bounds = array<i64: 8, 5>, scalar_prefetch = 0 : i64, scratch_operands = 1 : i64, tpu.core_type = #tpu.core_type<tc>, window_params = [{transform_indices = @transform_0, window_bounds = array<i64: 384, 256>}, {transform_indices = @transform_1, window_bounds = array<i64: 384, 4096>}, {transform_indices = @transform_2, window_bounds = array<i64: 256, 32, 128>}, {transform_indices = @transform_3, window_bounds = array<i64: 256, 160>}]} {
    %get3A = arith.constant 0 : index
    %get3A_0 = arith.constant 0 : index
    %get3A_1 = vector.load %arg2[%get3A, %get3A_0] : memref<384x256xbf16, #tpu.memory_space<vmem>>, vector<384x256xbf16>
    %get3A_2 = arith.constant 0 : index
    %get3A_3 = arith.constant 0 : index
    %get3A_4 = vector.load %arg3[%get3A_2, %get3A_3] : memref<384x4096xbf16, #tpu.memory_space<vmem>>, vector<384x4096xbf16>
    %dot_general3A = arith.constant dense<0.000000e+00> : vector<256x4096xf32>
    %dot_general3A_5 = tpu.matmul %get3A_1, %get3A_4, %dot_general3A {dimension_numbers = #tpu.dot_dimension_numbers<[0], [0], [1], [1], [0, 1, 1, 1], [], []>, transpose_lhs_hint = false} : vector<384x256xbf16>, vector<384x4096xbf16>, vector<256x4096xf32> -> vector<256x4096xf32>
    %reshape3A = vector.shape_cast %dot_general3A_5 : vector<256x4096xf32> to vector<256x32x128xf32>
    %swap3A = arith.constant 0 : index
    %swap3A_6 = arith.constant 0 : index
    %swap3A_7 = arith.constant 0 : index
    %swap3A_8 = vector.load %arg4[%swap3A, %swap3A_6, %swap3A_7] : memref<256x32x128xf32, #tpu.memory_space<vmem>>, vector<256x32x128xf32>
    tpu.vector_store %arg4[%swap3A, %swap3A_6, %swap3A_7], %reshape3A {strides = array<i32>} : memref<256x32x128xf32, #tpu.memory_space<vmem>>, vector<256x32x128xf32>,
    %slice3A = vector.extract_strided_slice %dot_general3A_5 {offsets = [0, 0], sizes = [256, 128], strides = [1, 1]} : vector<256x4096xf32> to vector<256x128xf32>
    %reduce_max3A = arith.constant dense<0xFF800000> : vector<256xf32>
    %reduce_max3A_9 = vector.multi_reduction <maximumf>, %slice3A, %reduce_max3A [1] : vector<256x128xf32> to vector<256xf32>
    %broadcast_in_dim3A = vector.shape_cast %reduce_max3A_9 : vector<256xf32> to vector<256x1xf32>
    %slice3A_10 = vector.extract_strided_slice %dot_general3A_5 {offsets = [0, 128], sizes = [256, 128], strides = [1, 1]} : vector<256x4096xf32> to vector<256x128xf32>
    %reduce_max3A_11 = arith.constant dense<0xFF800000> : vector<256xf32>
    %reduce_max3A_12 = vector.multi_reduction <maximumf>, %slice3A_10, %reduce_max3A_11 [1] : vector<256x128xf32> to vector<256xf32>
    %broadcast_in_dim3A_13 = vector.shape_cast %reduce_max3A_12 : vector<256xf32> to vector<256x1xf32>
    %slice3A_14 = vector.extract_strided_slice %dot_general3A_5 {offsets = [0, 256], sizes = [256, 128], strides = [1, 1]} : vector<256x4096xf32> to vector<256x128xf32>
    %reduce_max3A_15 = arith.constant dense<0xFF800000> : vector<256xf32>
    %reduce_max3A_16 = vector.multi_reduction <maximumf>, %slice3A_14, %reduce_max3A_15 [1] : vector<256x128xf32> to vector<256xf32>
    %broadcast_in_dim3A_17 = vector.shape_cast %reduce_max3A_16 : vector<256xf32> to vector<256x1xf32>
    %slice3A_18 = vector.extract_strided_slice %dot_general3A_5 {offsets = [0, 384], sizes = [256, 128], strides = [1, 1]} : vector<256x4096xf32> to vector<256x128xf32>
    %reduce_max3A_19 = arith.constant dense<0xFF800000> : vector<256xf32>
    %reduce_max3A_20 = vector.multi_reduction <maximumf>, %slice3A_18, %reduce_max3A_19 [1] : vector<256x128xf32> to vector<256xf32>
    %broadcast_in_dim3A_21 = vector.shape_cast %reduce_max3A_20 : vector<256xf32> to vector<256x1xf32>
    %slice3A_22 = vector.extract_strided_slice %dot_general3A_5 {offsets = [0, 512], sizes = [256, 128], strides = [1, 1]} : vector<256x4096xf32> to vector<256x128xf32>
    %reduce_max3A_23 = arith.constant dense<0xFF800000> : vector<256xf32>
    %reduce_max3A_24 = vector.multi_reduction <maximumf>, %slice3A_22, %reduce_max3A_23 [1] : vector<256x128xf32> to vector<256xf32>
    %broadcast_in_dim3A_25 = vector.shape_cast %reduce_max3A_24 : vector<256xf32> to vector<256x1xf32>
    %slice3A_26 = vector.extract_strided_slice %dot_general3A_5 {offsets = [0, 640], sizes = [256, 128], strides = [1, 1]} : vector<256x4096xf32> to vector<256x128xf32>
    %reduce_max3A_27 = arith.constant dense<0xFF800000> : vector<256xf32>
    %reduce_max3A_28 = vector.multi_reduction <maximumf>, %slice3A_26, %reduce_max3A_27 [1] : vector<256x128xf32> to vector<256xf32>
    %broadcast_in_dim3A_29 = vector.shape_cast %reduce_max3A_28 : vector<256xf32> to vector<256x1xf32>
    %slice3A_30 = vector.extract_strided_slice %dot_general3A_5 {offsets = [0, 768], sizes = [256, 128], strides = [1, 1]} : vector<256x4096xf32> to vector<256x128xf32>
    %reduce_max3A_31 = arith.constant dense<0xFF800000> : vector<256xf32>
    %reduce_max3A_32 = vector.multi_reduction <maximumf>, %slice3A_30, %reduce_max3A_31 [1] : vector<256x128xf32> to vector<256xf32>
    %broadcast_in_dim3A_33 = vector.shape_cast %reduce_max3A_32 : vector<256xf32> to vector<256x1xf32>
    %slice3A_34 = vector.extract_strided_slice %dot_general3A_5 {offsets = [0, 896], sizes = [256, 128], strides = [1, 1]} : vector<256x4096xf32> to vector<256x128xf32>
    %reduce_max3A_35 = arith.constant dense<0xFF800000> : vector<256xf32>
    %reduce_max3A_36 = vector.multi_reduction <maximumf>, %slice3A_34, %reduce_max3A_35 [1] : vector<256x128xf32> to vector<256xf32>
    %broadcast_in_dim3A_37 = vector.shape_cast %reduce_max3A_36 : vector<256xf32> to vector<256x1xf32>
    %slice3A_38 = vector.extract_strided_slice %dot_general3A_5 {offsets = [0, 1024], sizes = [256, 128], strides = [1, 1]} : vector<256x4096xf32> to vector<256x128xf32>
    %reduce_max3A_39 = arith.constant dense<0xFF800000> : vector<256xf32>
    %reduce_max3A_40 = vector.multi_reduction <maximumf>, %slice3A_38, %reduce_max3A_39 [1] : vector<256x128xf32> to vector<256xf32>
    %broadcast_in_dim3A_41 = vector.shape_cast %reduce_max3A_40 : vector<256xf32> to vector<256x1xf32>
    %slice3A_42 = vector.extract_strided_slice %dot_general3A_5 {offsets = [0, 1152], sizes = [256, 128], strides = [1, 1]} : vector<256x4096xf32> to vector<256x128xf32>
    %reduce_max3A_43 = arith.constant dense<0xFF800000> : vector<256xf32>
    %reduce_max3A_44 = vector.multi_reduction <maximumf>, %slice3A_42, %reduce_max3A_43 [1] : vector<256x128xf32> to vector<256xf32>
    %broadcast_in_dim3A_45 = vector.shape_cast %reduce_max3A_44 : vector<256xf32> to vector<256x1xf32>
    %slice3A_46 = vector.extract_strided_slice %dot_general3A_5 {offsets = [0, 1280], sizes = [256, 128], strides = [1, 1]} : vector<256x4096xf32> to vector<256x128xf32>
    %reduce_max3A_47 = arith.constant dense<0xFF800000> : vector<256xf32>
    %reduce_max3A_48 = vector.multi_reduction <maximumf>, %slice3A_46, %reduce_max3A_47 [1] : vector<256x128xf32> to vector<256xf32>
    %broadcast_in_dim3A_49 = vector.shape_cast %reduce_max3A_48 : vector<256xf32> to vector<256x1xf32>
    %slice3A_50 = vector.extract_strided_slice %dot_general3A_5 {offsets = [0, 1408], sizes = [256, 128], strides = [1, 1]} : vector<256x4096xf32> to vector<256x128xf32>
    %reduce_max3A_51 = arith.constant dense<0xFF800000> : vector<256xf32>
    %reduce_max3A_52 = vector.multi_reduction <maximumf>, %slice3A_50, %reduce_max3A_51 [1] : vector<256x128xf32> to vector<256xf32>
    %broadcast_in_dim3A_53 = vector.shape_cast %reduce_max3A_52 : vector<256xf32> to vector<256x1xf32>
    %slice3A_54 = vector.extract_strided_slice %dot_general3A_5 {offsets = [0, 1536], sizes = [256, 128], strides = [1, 1]} : vector<256x4096xf32> to vector<256x128xf32>
    %reduce_max3A_55 = arith.constant dense<0xFF800000> : vector<256xf32>
    %reduce_max3A_56 = vector.multi_reduction <maximumf>, %slice3A_54, %reduce_max3A_55 [1] : vector<256x128xf32> to vector<256xf32>
    %broadcast_in_dim3A_57 = vector.shape_cast %reduce_max3A_56 : vector<256xf32> to vector<256x1xf32>
    %slice3A_58 = vector.extract_strided_slice %dot_general3A_5 {offsets = [0, 1664], sizes = [256, 128], strides = [1, 1]} : vector<256x4096xf32> to vector<256x128xf32>
    %reduce_max3A_59 = arith.constant dense<0xFF800000> : vector<256xf32>
    %reduce_max3A_60 = vector.multi_reduction <maximumf>, %slice3A_58, %reduce_max3A_59 [1] : vector<256x128xf32> to vector<256xf32>
    %broadcast_in_dim3A_61 = vector.shape_cast %reduce_max3A_60 : vector<256xf32> to vector<256x1xf32>
    %slice3A_62 = vector.extract_strided_slice %dot_general3A_5 {offsets = [0, 1792], sizes = [256, 128], strides = [1, 1]} : vector<256x4096xf32> to vector<256x128xf32>
    %reduce_max3A_63 = arith.constant dense<0xFF800000> : vector<256xf32>
    %reduce_max3A_64 = vector.multi_reduction <maximumf>, %slice3A_62, %reduce_max3A_63 [1] : vector<256x128xf32> to vector<256xf32>
    %broadcast_in_dim3A_65 = vector.shape_cast %reduce_max3A_64 : vector<256xf32> to vector<256x1xf32>
    %slice3A_66 = vector.extract_strided_slice %dot_general3A_5 {offsets = [0, 1920], sizes = [256, 128], strides = [1, 1]} : vector<256x4096xf32> to vector<256x128xf32>
    %reduce_max3A_67 = arith.constant dense<0xFF800000> : vector<256xf32>
    %reduce_max3A_68 = vector.multi_reduction <maximumf>, %slice3A_66, %reduce_max3A_67 [1] : vector<256x128xf32> to vector<256xf32>
    %broadcast_in_dim3A_69 = vector.shape_cast %reduce_max3A_68 : vector<256xf32> to vector<256x1xf32>
    %slice3A_70 = vector.extract_strided_slice %dot_general3A_5 {offsets = [0, 2048], sizes = [256, 128], strides = [1, 1]} : vector<256x4096xf32> to vector<256x128xf32>
    %reduce_max3A_71 = arith.constant dense<0xFF800000> : vector<256xf32>
    %reduce_max3A_72 = vector.multi_reduction <maximumf>, %slice3A_70, %reduce_max3A_71 [1] : vector<256x128xf32> to vector<256xf32>
    %broadcast_in_dim3A_73 = vector.shape_cast %reduce_max3A_72 : vector<256xf32> to vector<256x1xf32>
    %slice3A_74 = vector.extract_strided_slice %dot_general3A_5 {offsets = [0, 2176], sizes = [256, 128], strides = [1, 1]} : vector<256x4096xf32> to vector<256x128xf32>
    %reduce_max3A_75 = arith.constant dense<0xFF800000> : vector<256xf32>
    %reduce_max3A_76 = vector.multi_reduction <maximumf>, %slice3A_74, %reduce_max3A_75 [1] : vector<256x128xf32> to vector<256xf32>
    %broadcast_in_dim3A_77 = vector.shape_cast %reduce_max3A_76 : vector<256xf32> to vector<256x1xf32>
    %slice3A_78 = vector.extract_strided_slice %dot_general3A_5 {offsets = [0, 2304], sizes = [256, 128], strides = [1, 1]} : vector<256x4096xf32> to vector<256x128xf32>
    %reduce_max3A_79 = arith.constant dense<0xFF800000> : vector<256xf32>
    %reduce_max3A_80 = vector.multi_reduction <maximumf>, %slice3A_78, %reduce_max3A_79 [1] : vector<256x128xf32> to vector<256xf32>
    %broadcast_in_dim3A_81 = vector.shape_cast %reduce_max3A_80 : vector<256xf32> to vector<256x1xf32>
    %slice3A_82 = vector.extract_strided_slice %dot_general3A_5 {offsets = [0, 2432], sizes = [256, 128], strides = [1, 1]} : vector<256x4096xf32> to vector<256x128xf32>
    %reduce_max3A_83 = arith.constant dense<0xFF800000> : vector<256xf32>
    %reduce_max3A_84 = vector.multi_reduction <maximumf>, %slice3A_82, %reduce_max3A_83 [1] : vector<256x128xf32> to vector<256xf32>
    %broadcast_in_dim3A_85 = vector.shape_cast %reduce_max3A_84 : vector<256xf32> to vector<256x1xf32>
    %slice3A_86 = vector.extract_strided_slice %dot_general3A_5 {offsets = [0, 2560], sizes = [256, 128], strides = [1, 1]} : vector<256x4096xf32> to vector<256x128xf32>
    %reduce_max3A_87 = arith.constant dense<0xFF800000> : vector<256xf32>
    %reduce_max3A_88 = vector.multi_reduction <maximumf>, %slice3A_86, %reduce_max3A_87 [1] : vector<256x128xf32> to vector<256xf32>
    %broadcast_in_dim3A_89 = vector.shape_cast %reduce_max3A_88 : vector<256xf32> to vector<256x1xf32>
    %slice3A_90 = vector.extract_strided_slice %dot_general3A_5 {offsets = [0, 2688], sizes = [256, 128], strides = [1, 1]} : vector<256x4096xf32> to vector<256x128xf32>
    %reduce_max3A_91 = arith.constant dense<0xFF800000> : vector<256xf32>
    %reduce_max3A_92 = vector.multi_reduction <maximumf>, %slice3A_90, %reduce_max3A_91 [1] : vector<256x128xf32> to vector<256xf32>
    %broadcast_in_dim3A_93 = vector.shape_cast %reduce_max3A_92 : vector<256xf32> to vector<256x1xf32>
    %slice3A_94 = vector.extract_strided_slice %dot_general3A_5 {offsets = [0, 2816], sizes = [256, 128], strides = [1, 1]} : vector<256x4096xf32> to vector<256x128xf32>
    %reduce_max3A_95 = arith.constant dense<0xFF800000> : vector<256xf32>
    %reduce_max3A_96 = vector.multi_reduction <maximumf>, %slice3A_94, %reduce_max3A_95 [1] : vector<256x128xf32> to vector<256xf32>
    %broadcast_in_dim3A_97 = vector.shape_cast %reduce_max3A_96 : vector<256xf32> to vector<256x1xf32>
    %slice3A_98 = vector.extract_strided_slice %dot_general3A_5 {offsets = [0, 2944], sizes = [256, 128], strides = [1, 1]} : vector<256x4096xf32> to vector<256x128xf32>
    %reduce_max3A_99 = arith.constant dense<0xFF800000> : vector<256xf32>
    %reduce_max3A_100 = vector.multi_reduction <maximumf>, %slice3A_98, %reduce_max3A_99 [1] : vector<256x128xf32> to vector<256xf32>
    %broadcast_in_dim3A_101 = vector.shape_cast %reduce_max3A_100 : vector<256xf32> to vector<256x1xf32>
    %slice3A_102 = vector.extract_strided_slice %dot_general3A_5 {offsets = [0, 3072], sizes = [256, 128], strides = [1, 1]} : vector<256x4096xf32> to vector<256x128xf32>
    %reduce_max3A_103 = arith.constant dense<0xFF800000> : vector<256xf32>
    %reduce_max3A_104 = vector.multi_reduction <maximumf>, %slice3A_102, %reduce_max3A_103 [1] : vector<256x128xf32> to vector<256xf32>
    %broadcast_in_dim3A_105 = vector.shape_cast %reduce_max3A_104 : vector<256xf32> to vector<256x1xf32>
    %slice3A_106 = vector.extract_strided_slice %dot_general3A_5 {offsets = [0, 3200], sizes = [256, 128], strides = [1, 1]} : vector<256x4096xf32> to vector<256x128xf32>
    %reduce_max3A_107 = arith.constant dense<0xFF800000> : vector<256xf32>
    %reduce_max3A_108 = vector.multi_reduction <maximumf>, %slice3A_106, %reduce_max3A_107 [1] : vector<256x128xf32> to vector<256xf32>
    %broadcast_in_dim3A_109 = vector.shape_cast %reduce_max3A_108 : vector<256xf32> to vector<256x1xf32>
    %slice3A_110 = vector.extract_strided_slice %dot_general3A_5 {offsets = [0, 3328], sizes = [256, 128], strides = [1, 1]} : vector<256x4096xf32> to vector<256x128xf32>
    %reduce_max3A_111 = arith.constant dense<0xFF800000> : vector<256xf32>
    %reduce_max3A_112 = vector.multi_reduction <maximumf>, %slice3A_110, %reduce_max3A_111 [1] : vector<256x128xf32> to vector<256xf32>
    %broadcast_in_dim3A_113 = vector.shape_cast %reduce_max3A_112 : vector<256xf32> to vector<256x1xf32>
    %slice3A_114 = vector.extract_strided_slice %dot_general3A_5 {offsets = [0, 3456], sizes = [256, 128], strides = [1, 1]} : vector<256x4096xf32> to vector<256x128xf32>
    %reduce_max3A_115 = arith.constant dense<0xFF800000> : vector<256xf32>
    %reduce_max3A_116 = vector.multi_reduction <maximumf>, %slice3A_114, %reduce_max3A_115 [1] : vector<256x128xf32> to vector<256xf32>
    %broadcast_in_dim3A_117 = vector.shape_cast %reduce_max3A_116 : vector<256xf32> to vector<256x1xf32>
    %slice3A_118 = vector.extract_strided_slice %dot_general3A_5 {offsets = [0, 3584], sizes = [256, 128], strides = [1, 1]} : vector<256x4096xf32> to vector<256x128xf32>
    %reduce_max3A_119 = arith.constant dense<0xFF800000> : vector<256xf32>
    %reduce_max3A_120 = vector.multi_reduction <maximumf>, %slice3A_118, %reduce_max3A_119 [1] : vector<256x128xf32> to vector<256xf32>
    %broadcast_in_dim3A_121 = vector.shape_cast %reduce_max3A_120 : vector<256xf32> to vector<256x1xf32>
    %slice3A_122 = vector.extract_strided_slice %dot_general3A_5 {offsets = [0, 3712], sizes = [256, 128], strides = [1, 1]} : vector<256x4096xf32> to vector<256x128xf32>
    %reduce_max3A_123 = arith.constant dense<0xFF800000> : vector<256xf32>
    %reduce_max3A_124 = vector.multi_reduction <maximumf>, %slice3A_122, %reduce_max3A_123 [1] : vector<256x128xf32> to vector<256xf32>
    %broadcast_in_dim3A_125 = vector.shape_cast %reduce_max3A_124 : vector<256xf32> to vector<256x1xf32>
    %slice3A_126 = vector.extract_strided_slice %dot_general3A_5 {offsets = [0, 3840], sizes = [256, 128], strides = [1, 1]} : vector<256x4096xf32> to vector<256x128xf32>
    %reduce_max3A_127 = arith.constant dense<0xFF800000> : vector<256xf32>
    %reduce_max3A_128 = vector.multi_reduction <maximumf>, %slice3A_126, %reduce_max3A_127 [1] : vector<256x128xf32> to vector<256xf32>
    %broadcast_in_dim3A_129 = vector.shape_cast %reduce_max3A_128 : vector<256xf32> to vector<256x1xf32>
    %slice3A_130 = vector.extract_strided_slice %dot_general3A_5 {offsets = [0, 3968], sizes = [256, 128], strides = [1, 1]} : vector<256x4096xf32> to vector<256x128xf32>
    %reduce_max3A_131 = arith.constant dense<0xFF800000> : vector<256xf32>
    %reduce_max3A_132 = vector.multi_reduction <maximumf>, %slice3A_130, %reduce_max3A_131 [1] : vector<256x128xf32> to vector<256xf32>
    %broadcast_in_dim3A_133 = vector.shape_cast %reduce_max3A_132 : vector<256xf32> to vector<256x1xf32>
    %concatenate3A = tpu.concatenate %broadcast_in_dim3A, %broadcast_in_dim3A_13, %broadcast_in_dim3A_17, %broadcast_in_dim3A_21, %broadcast_in_dim3A_25, %broadcast_in_dim3A_29, %broadcast_in_dim3A_33, %broadcast_in_dim3A_37, %broadcast_in_dim3A_41, %broadcast_in_dim3A_45, %broadcast_in_dim3A_49, %broadcast_in_dim3A_53, %broadcast_in_dim3A_57, %broadcast_in_dim3A_61, %broadcast_in_dim3A_65, %broadcast_in_dim3A_69, %broadcast_in_dim3A_73, %broadcast_in_dim3A_77, %broadcast_in_dim3A_81, %broadcast_in_dim3A_85, %broadcast_in_dim3A_89, %broadcast_in_dim3A_93, %broadcast_in_dim3A_97, %broadcast_in_dim3A_101, %broadcast_in_dim3A_105, %broadcast_in_dim3A_109, %broadcast_in_dim3A_113, %broadcast_in_dim3A_117, %broadcast_in_dim3A_121, %broadcast_in_dim3A_125, %broadcast_in_dim3A_129, %broadcast_in_dim3A_133 in 1 : vector<256x1xf32>, vector<256x1xf32>, vector<256x1xf32>, vector<256x1xf32>, vector<256x1xf32>, vector<256x1xf32>, vector<256x1xf32>, vector<256x1xf32>, vector<256x1xf32>, vector<256x1xf32>, vector<256x1xf32>, vector<256x1xf32>, vector<256x1xf32>, vector<256x1xf32>, vector<256x1xf32>, vector<256x1xf32>, vector<256x1xf32>, vector<256x1xf32>, vector<256x1xf32>, vector<256x1xf32>, vector<256x1xf32>, vector<256x1xf32>, vector<256x1xf32>, vector<256x1xf32>, vector<256x1xf32>, vector<256x1xf32>, vector<256x1xf32>, vector<256x1xf32>, vector<256x1xf32>, vector<256x1xf32>, vector<256x1xf32>, vector<256x1xf32> -> vector<256x32xf32>
    %swap3A_134 = arith.index_cast %arg1 : i32 to index
    %swap3A_135 = arith.constant 0 : index
    %swap3A_136 = arith.constant 0 : index
    %swap3A_137 = vector.load %arg6[%swap3A_134, %swap3A_135, %swap3A_136] : memref<5x256x32xf32, #tpu.memory_space<vmem>>, vector<1x256x32xf32>
    %swap3A_138 = vector.shape_cast %swap3A_137 : vector<1x256x32xf32> to vector<256x32xf32>
    %swap3A_139 = vector.shape_cast %concatenate3A : vector<256x32xf32> to vector<1x256x32xf32>
    tpu.vector_store %arg6[%swap3A_134, %swap3A_135, %swap3A_136], %swap3A_139 {strides = array<i32>} : memref<5x256x32xf32, #tpu.memory_space<vmem>>, vector<1x256x32xf32>,
    %eq3A = arith.constant 4 : i32
    %eq3A_140 = arith.cmpi eq, %arg1, %eq3A : i32
    %convert_element_type3A = arith.extui %eq3A_140 : i1 to i32
    %cond3A = arith.constant 0 : i32
    %cond3A_141 = arith.cmpi ne, %convert_element_type3A, %cond3A : i32
    scf.if %cond3A_141 {
      %get3A_142 = arith.constant 0 : index
      %get3A_143 = arith.constant 0 : index
      %get3A_144 = arith.constant 0 : index
      %get3A_145 = vector.load %arg6[%get3A_142, %get3A_143, %get3A_144] : memref<5x256x32xf32, #tpu.memory_space<vmem>>, vector<1x256x32xf32>
      %get3A_146 = vector.shape_cast %get3A_145 : vector<1x256x32xf32> to vector<256x32xf32>
      %get3A_147 = arith.constant 1 : index
      %get3A_148 = arith.constant 0 : index
      %get3A_149 = arith.constant 0 : index
      %get3A_150 = vector.load %arg6[%get3A_147, %get3A_148, %get3A_149] : memref<5x256x32xf32, #tpu.memory_space<vmem>>, vector<1x256x32xf32>
      %get3A_151 = vector.shape_cast %get3A_150 : vector<1x256x32xf32> to vector<256x32xf32>
      %get3A_152 = arith.constant 2 : index
      %get3A_153 = arith.constant 0 : index
      %get3A_154 = arith.constant 0 : index
      %get3A_155 = vector.load %arg6[%get3A_152, %get3A_153, %get3A_154] : memref<5x256x32xf32, #tpu.memory_space<vmem>>, vector<1x256x32xf32>
      %get3A_156 = vector.shape_cast %get3A_155 : vector<1x256x32xf32> to vector<256x32xf32>
      %get3A_157 = arith.constant 3 : index
      %get3A_158 = arith.constant 0 : index
      %get3A_159 = arith.constant 0 : index
      %get3A_160 = vector.load %arg6[%get3A_157, %get3A_158, %get3A_159] : memref<5x256x32xf32, #tpu.memory_space<vmem>>, vector<1x256x32xf32>
      %get3A_161 = vector.shape_cast %get3A_160 : vector<1x256x32xf32> to vector<256x32xf32>
      %get3A_162 = arith.constant 4 : index
      %get3A_163 = arith.constant 0 : index
      %get3A_164 = arith.constant 0 : index
      %get3A_165 = vector.load %arg6[%get3A_162, %get3A_163, %get3A_164] : memref<5x256x32xf32, #tpu.memory_space<vmem>>, vector<1x256x32xf32>
      %get3A_166 = vector.shape_cast %get3A_165 : vector<1x256x32xf32> to vector<256x32xf32>
      %concatenate3A_167 = tpu.concatenate %get3A_146, %get3A_151, %get3A_156, %get3A_161, %get3A_166 in 1 : vector<256x32xf32>, vector<256x32xf32>, vector<256x32xf32>, vector<256x32xf32>, vector<256x32xf32> -> vector<256x160xf32>
      %swap3A_168 = arith.constant 0 : index
      %swap3A_169 = arith.constant 0 : index
      %swap3A_170 = vector.load %arg5[%swap3A_168, %swap3A_169] : memref<256x160xf32, #tpu.memory_space<vmem>>, vector<256x160xf32>
      tpu.vector_store %arg5[%swap3A_168, %swap3A_169], %concatenate3A_167 {strides = array<i32>} : memref<256x160xf32, #tpu.memory_space<vmem>>, vector<256x160xf32>,
    } else {
    }
    return
  }
  func.func @transform_0(%arg0: i32, %arg1: i32) -> (i32, i32) {
    %c0_i32 = arith.constant 0 : i32
    %c0_i32_0 = arith.constant 0 : i32
    return %c0_i32, %arg0 : i32, i32
  }
  func.func @transform_1(%arg0: i32, %arg1: i32) -> (i32, i32) {
    %c0_i32 = arith.constant 0 : i32
    %c0_i32_0 = arith.constant 0 : i32
    return %c0_i32, %arg1 : i32, i32
  }
  func.func @transform_2(%arg0: i32, %arg1: i32) -> (i32, i32, i32) {
    %c0_i32 = arith.constant 0 : i32
    %c0_i32_0 = arith.constant 0 : i32
    return %arg0, %arg1, %c0_i32 : i32, i32, i32
  }
  func.func @transform_3(%arg0: i32, %arg1: i32) -> (i32, i32) {
    %c0_i32 = arith.constant 0 : i32
    %c0_i32_0 = arith.constant 0 : i32
    return %arg0, %c0_i32 : i32, i32
  }
}

module attributes {stable_mosaic.version = 14 : i64} {
  func.func @_extract_body(%arg0: i32, %arg1: memref<256x16x128xf32, #tpu.memory_space<vmem>>, %arg2: memref<1x1xf32, #tpu.memory_space<vmem>>) attributes {dimension_semantics = [#tpu.dimension_semantics<arbitrary>], iteration_bounds = array<i64: 8>, scalar_prefetch = 0 : i64, scratch_operands = 0 : i64, tpu.core_type = #tpu.core_type<tc>, window_params = [{transform_indices = @transform_0, window_bounds = array<i64: 256, 16, 128>}, {pipeline_mode = #tpu.pipeline_mode<synchronous>, transform_indices = @transform_1, window_bounds = array<i64: 1, 1>}]} {
    %get3A = arith.constant 0 : index
    %get3A_0 = arith.constant 0 : index
    %get3A_1 = arith.constant 0 : index
    %get3A_2 = vector.load %arg1[%get3A, %get3A_0, %get3A_1] : memref<256x16x128xf32, #tpu.memory_space<vmem>>, vector<256x16x128xf32>
    %reduce_max3A = arith.constant dense<0xFF800000> : vector<256x16xf32>
    %reduce_max3A_3 = vector.multi_reduction <maximumf>, %get3A_2, %reduce_max3A [2] : vector<256x16x128xf32> to vector<256x16xf32>
    %reduce_max3A_4 = arith.constant dense<0xFF800000> : vector<256xf32>
    %reduce_max3A_5 = vector.multi_reduction <maximumf>, %reduce_max3A_3, %reduce_max3A_4 [1] : vector<256x16xf32> to vector<256xf32>
    %broadcast_in_dim3A = vector.shape_cast %reduce_max3A_5 : vector<256xf32> to vector<256x1xf32>
    %broadcast_in_dim3A_6 = arith.constant 0.000000e+00 : f32
    %broadcast_in_dim3A_7 = vector.broadcast %broadcast_in_dim3A_6 : f32 to vector<256x1xf32>
    %scan3A = arith.constant 0xFF800000 : f32
    %scan3A_8 = arith.constant 0 : i32
    %scan3A_9 = arith.constant 14 : i32
    %scan3A_10 = arith.addi %scan3A_8, %scan3A_9 : i32
    %scan3A_11 = arith.constant 1 : i32
    %scan3A_12:3 = scf.for %scan3A_34 = %scan3A_8 to %scan3A_10 step %scan3A_11 iter_args(%scan3A_35 = %broadcast_in_dim3A, %scan3A_36 = %broadcast_in_dim3A_7, %scan3A_37 = %broadcast_in_dim3A_7) -> (vector<256x1xf32>, vector<256x1xf32>, vector<256x1xf32>)  : i32 {
      %get3A_38 = arith.constant 0 : index
      %get3A_39 = arith.constant 0 : index
      %get3A_40 = arith.constant 0 : index
      %get3A_41 = vector.load %arg1[%get3A_38, %get3A_39, %get3A_40] : memref<256x16x128xf32, #tpu.memory_space<vmem>>, vector<256x16x128xf32>
      %broadcast_in_dim3A_42 = vector.shape_cast %scan3A_35 : vector<256x1xf32> to vector<256x1x1xf32>
      %lt3A = vector.broadcast %broadcast_in_dim3A_42 : vector<256x1x1xf32> to vector<256x16x128xf32>
      %lt3A_43 = arith.cmpf olt, %get3A_41, %lt3A : vector<256x16x128xf32>
      %get3A_44 = arith.constant 0 : index
      %get3A_45 = arith.constant 0 : index
      %get3A_46 = arith.constant 0 : index
      %get3A_47 = vector.load %arg1[%get3A_44, %get3A_45, %get3A_46] : memref<256x16x128xf32, #tpu.memory_space<vmem>>, vector<256x16x128xf32>
      %broadcast_in_dim3A_48 = vector.broadcast %scan3A : f32 to vector<256x16x128xf32>
      %select_n3A = arith.select %lt3A_43, %get3A_47, %broadcast_in_dim3A_48 : vector<256x16x128xi1>, vector<256x16x128xf32>
      %reduce_max3A_49 = arith.constant dense<0xFF800000> : vector<256x16xf32>
      %reduce_max3A_50 = vector.multi_reduction <maximumf>, %select_n3A, %reduce_max3A_49 [2] : vector<256x16x128xf32> to vector<256x16xf32>
      %reduce_max3A_51 = arith.constant dense<0xFF800000> : vector<256xf32>
      %reduce_max3A_52 = vector.multi_reduction <maximumf>, %reduce_max3A_50, %reduce_max3A_51 [1] : vector<256x16xf32> to vector<256xf32>
      %broadcast_in_dim3A_53 = vector.shape_cast %reduce_max3A_52 : vector<256xf32> to vector<256x1xf32>
      %max3A_54 = arith.constant -4.000000e+00 : f32
      %max3A_55 = vector.broadcast %max3A_54 : f32 to vector<256x1xf32>
      %max3A_56 = arith.maximumf %scan3A_35, %max3A_55 : vector<256x1xf32>
      %sub3A_57 = arith.subf %max3A_56, %broadcast_in_dim3A : vector<256x1xf32>
      %exp3A_58 = math.exp %sub3A_57 : vector<256x1xf32>
      %add3A_59 = arith.addf %scan3A_36, %exp3A_58 : vector<256x1xf32>
      %lt3A_60 = arith.constant 4 : i32
      %lt3A_61 = arith.cmpi slt, %scan3A_34, %lt3A_60 : i32
      %jit3A = arith.constant 0.000000e+00 : f32
      %broadcast_in_dim3A_62 = vector.broadcast %jit3A : f32 to vector<256x1xf32>
      %select_n3A_63 = arith.select %lt3A_61, %max3A_56, %broadcast_in_dim3A_62 : vector<256x1xf32>
      %add3A_64 = arith.addf %scan3A_37, %select_n3A_63 : vector<256x1xf32>
      scf.yield %broadcast_in_dim3A_53, %add3A_59, %add3A_64 : vector<256x1xf32>, vector<256x1xf32>, vector<256x1xf32>
    }
    %scan3A_13 = arith.constant 14 : i32
    %max3A = arith.constant -4.000000e+00 : f32
    %max3A_14 = vector.broadcast %max3A : f32 to vector<256x1xf32>
    %max3A_15 = arith.maximumf %scan3A_12#0, %max3A_14 : vector<256x1xf32>
    %sub3A = arith.subf %max3A_15, %broadcast_in_dim3A : vector<256x1xf32>
    %exp3A = math.exp %sub3A : vector<256x1xf32>
    %add3A = arith.addf %scan3A_12#1, %exp3A : vector<256x1xf32>
    %log3A = math.log %add3A : vector<256x1xf32>
    %mul3A = arith.constant 4.000000e+00 : f32
    %mul3A_16 = vector.broadcast %mul3A : f32 to vector<256x1xf32>
    %mul3A_17 = arith.mulf %mul3A_16, %broadcast_in_dim3A : vector<256x1xf32>
    %sub3A_18 = arith.subf %scan3A_12#2, %mul3A_17 : vector<256x1xf32>
    %mul3A_19 = arith.constant 2.500000e-01 : f32
    %mul3A_20 = vector.broadcast %mul3A_19 : f32 to vector<256x1xf32>
    %mul3A_21 = arith.mulf %mul3A_20, %sub3A_18 : vector<256x1xf32>
    %sub3A_22 = arith.subf %log3A, %mul3A_21 : vector<256x1xf32>
    %reduce_sum3A = vector.shape_cast %sub3A_22 : vector<256x1xf32> to vector<1x256x1xf32>
    %reduce_sum3A_23 = arith.constant dense<0.000000e+00> : vector<1xf32>
    %reduce_sum3A_24 = vector.multi_reduction <add>, %reduce_sum3A, %reduce_sum3A_23 [1, 2] : vector<1x256x1xf32> to vector<1xf32>
    %reduce_sum3A_25 = vector.shape_cast %reduce_sum3A_24 : vector<1xf32> to vector<1x1x1xf32>
    %reduce_sum3A_26 = vector.extract %reduce_sum3A_25[0, 0, 0] : f32 from vector<1x1x1xf32>
    %div3A = arith.constant 2.048000e+03 : f32
    %div3A_27 = arith.divf %reduce_sum3A_26, %div3A : f32
    %reshape3A = vector.broadcast %div3A_27 : f32 to vector<1x1xf32>
    %eq3A = arith.constant 0 : i32
    %eq3A_28 = arith.cmpi eq, %arg0, %eq3A : i32
    %convert_element_type3A = arith.extui %eq3A_28 : i1 to i32
    %cond3A = arith.constant 0 : i32
    %cond3A_29 = arith.cmpi ne, %convert_element_type3A, %cond3A : i32
    scf.if %cond3A_29 {
      %swap3A = arith.constant 0 : index
      %swap3A_34 = arith.constant 0 : index
      %swap3A_35 = vector.load %arg2[%swap3A, %swap3A_34] : memref<1x1xf32, #tpu.memory_space<vmem>>, vector<1x1xf32>
      tpu.vector_store %arg2[%swap3A, %swap3A_34], %reshape3A {strides = array<i32>} : memref<1x1xf32, #tpu.memory_space<vmem>>, vector<1x1xf32>,
    } else {
    }
    %ne3A = arith.constant 0 : i32
    %ne3A_30 = arith.cmpi ne, %arg0, %ne3A : i32
    %convert_element_type3A_31 = arith.extui %ne3A_30 : i1 to i32
    %cond3A_32 = arith.constant 0 : i32
    %cond3A_33 = arith.cmpi ne, %convert_element_type3A_31, %cond3A_32 : i32
    scf.if %cond3A_33 {
      %get3A_34 = arith.constant 0 : index
      %get3A_35 = arith.constant 0 : index
      %get3A_36 = vector.load %arg2[%get3A_34, %get3A_35] : memref<1x1xf32, #tpu.memory_space<vmem>>, vector<1x1xf32>
      %add3A_37 = arith.addf %get3A_36, %reshape3A : vector<1x1xf32>
      %swap3A = arith.constant 0 : index
      %swap3A_38 = arith.constant 0 : index
      %swap3A_39 = vector.load %arg2[%swap3A, %swap3A_38] : memref<1x1xf32, #tpu.memory_space<vmem>>, vector<1x1xf32>
      tpu.vector_store %arg2[%swap3A, %swap3A_38], %add3A_37 {strides = array<i32>} : memref<1x1xf32, #tpu.memory_space<vmem>>, vector<1x1xf32>,
    } else {
    }
    return
  }
  func.func @transform_0(%arg0: i32) -> (i32, i32, i32) {
    %c0_i32 = arith.constant 0 : i32
    %c0_i32_0 = arith.constant 0 : i32
    %c0_i32_1 = arith.constant 0 : i32
    return %arg0, %c0_i32, %c0_i32_0 : i32, i32, i32
  }
  func.func @transform_1(%arg0: i32) -> (i32, i32) {
    %c0_i32 = arith.constant 0 : i32
    %c0_i32_0 = arith.constant 0 : i32
    %c0_i32_1 = arith.constant 0 : i32
    return %c0_i32, %c0_i32_0 : i32, i32
  }
}

</mosaic_0001>

<sc_bundles>
// kernel: kernel.6.cloned.1.call-start
scs
__scs_entry_jumppad:
0x0: {  	(pc) =	sbr.rel $0x88, $3  }
0x1: {  	(tag) =	ssettag $0x0;
	lr =	simm.s32 $0x1  }
0x2: {  	[smem:$0x3F9F] =	sst lr;
	_ =	strace $0xD0000000  }
0x3: {  	_ = 	snop  }
0x4: {  	_ = 	snop  }
0x5: {  	_ = 	snop  }
0x6: {  	_ = 	snop  }
0x7: {  	_ = 	snop  }
__scs_overlays_trampoline_lowered:
0x8: {  	[smem:$0x3FAE] =	sst s0  }
0x9: {  	[smem:$0x3FAF] =	sst s1  }
0xa: {  	[smem:$0x3FB0] =	sst s2  }
0xb: {  	[smem:$0x3FB1] =	sst s3  }
0xc: {  	[smem:$0x3FB2] =	sst s4  }
0xd: {  	[smem:$0x3FB3] =	sst s5  }
0xe: {  	[smem:$0x3FB4] =	sst s6  }
0xf: {  	[smem:$0x3FB5] =	sst s7  }
0x10: {  	[smem:$0x3FB6] =	sst s8  }
0x11: {  	[smem:$0x3FB7] =	sst s9;
	s0 =	simm.s32 @!p0 $0x0  }
0x12: {  	s1 =	sld [smem:$0x3F9D];
	s0 =	simm.s32 @p0 $0x1  }
0x13: {  	[smem:$0x3FB8] =	sst s0;
	s0 =	simm.s32 @!p1 $0x0  }
0x14: {  	s2 =	sld [smem:$0x3F9C];
	s0 =	simm.s32 @p1 $0x1  }
0x15: {  	[smem:$0x3FB9] =	sst s0;
	s0 =	simm.s32 @!p2 $0x0  }
0x16: {  	s3 =	sld [smem:$0x3FDB];
	s0 =	simm.s32 @p2 $0x1  }
0x17: {  	s4 =	simm.s32 $0x1BF5;
	[smem:$0x3FBB] =	sst s0  }
0x18: {  	s0 =	sld [smem:$0x3F9E];
	_ =	swait.ge [sflag:s4], $0x0  }
0x19: {  	s7 =	sld [smem:$0x3F9F]  }
0x1a: {  	s8 =	sadd.s32 $0xFFFFE003, lr  }
0x1b: {  	s9 =	sadd.s32 $0xFFFFFEF7, lr;
	s5 =	simm.s32 $0xFFFFFFFF;
	p2 =	slt.u32 s8, $0xFFFFF086  }
0x1c: {  	p1 =	slt.u32 s9, $0xF7A;
	s5 =	simm.s32 @!p2 $0x0  }
0x1d: {  	s5 =	simm.s32 @p1 $0x1;
	p0 =	seq.s32 s7, s2  }
0x1e: {  	s7 =	smul.u32 @!p0 $0xF7A, s2;
	p2 =	seq.s32 @!p0 s5, $0x0  }
0x1f: {  	s9 =	smul.u32 $0xF7A, s1;
	s8 =	simm.s32 @!p0 $0x1BF5;
	p2 =	por !p2, p0  }
0x20: {  	[sflag:s8] =	ssyncset.s32 @!p0 $0xFFFFF086;
	s6 =	sadd.s32 @!p0 s3, s7;
	s7 =	simm.s32 @!p0 $0x108  }
0x21: {  	s3 =	sadd.s32 s3, s9;
	s6 =	sadd.s32 @!p0 $0x88, s6;
	s7 =	simm.s32 @p2 $0x1082  }
0x22: {  	[simem:s7], [sflag:s8] =	dma.local @!p0 [hbm:s6], $0xF7A  }
0x23: {  	s9 =	sor.u32 $0xD0000000, s2;
	s6 =	simm.s32 $0x108;
	_ =	swait.ge @!p0 [sflag:s8], $0x0  }
0x24: {  	s3 =	sadd.s32 $0x88, s3;
	s6 =	simm.s32 @!p1 $0x1082;
	[sflag:s4] =	ssyncset.s32 $0xFFFFF086  }
0x25: {  	[simem:s6], [sflag:s4] =	dma.local [hbm:s3], $0xF7A  }
0x26: {  	[smem:$0x3F9F] =	sst s1;
	(tag) =	ssettag s2;
	_ =	strace s9  }
0x27: {  	s1 =	sld [smem:$0x3FAF]  }
0x28: {  	s2 =	sld [smem:$0x3FB0]  }
0x29: {  	s4 =	sld [smem:$0x3FB2]  }
0x2a: {  	p0 =	seq.s32 s5, $0x0;
	s5 =	sld [smem:$0x3FB3]  }
0x2b: {  	s6 =	sld [smem:$0x3FB4]  }
0x2c: {  	s7 =	sld [smem:$0x3FB5]  }
0x2d: {  	s3 =	simm.s32 $0x108;
	s8 =	sld [smem:$0x3FB6]  }
0x2e: {  	s3 =	simm.s32 @!p0 $0x1082;
	s9 =	sld [smem:$0x3FB7]  }
0x2f: {  	lr =	sadd.s32 s0, s3;
	s0 =	sld [smem:$0x3FAE]  }
0x30: {  	s3 =	sld [smem:$0x3FB1]  }
0x31: {  	[smem:$0x3FBA] =	sst s10  }
0x32: {  	s10 =	sld [smem:$0x3FB8];
	_ =	sdelay $0x3  }
0x33: {  	p0 =	seq.s32 s10, $0x1;
	s10 =	sld [smem:$0x3FBA];
	_ =	sdelay $0x3  }
0x34: {  	[smem:$0x3FBA] =	sst s10  }
0x35: {  	s10 =	sld [smem:$0x3FB9];
	_ =	sdelay $0x3  }
0x36: {  	p1 =	seq.s32 s10, $0x1;
	s10 =	sld [smem:$0x3FBA];
	_ =	sdelay $0x3  }
0x37: {  	[smem:$0x3FBA] =	sst s10  }
0x38: {  	s10 =	sld [smem:$0x3FBB]  }
0x39: {  	_ = 	snop;
	(pc) =	sbr.ind lr, $3  }
0x3a: {  	_ = 	snop  }
0x3b: {  	_ = 	snop  }
0x3c: {  	p2 =	seq.s32 s10, $0x1;
	s10 =	sld [smem:$0x3FBA]  }
0x3d: {  	_ =	shalt  }
0x3e: {  	_ =	shalt  }
0x3f: {  	_ =	shalt  }
0x40: {  	_ =	shalt  }
0x41: {  	_ =	shalt  }
0x42: {  	_ =	shalt  }
0x43: {  	_ =	shalt  }
0x44: {  	_ =	shalt  }
0x45: {  	_ =	shalt  }
0x46: {  	_ =	shalt  }
0x47: {  	_ =	shalt  }
0x48: {  	_ =	shalt  }
0x49: {  	_ =	shalt  }
0x4a: {  	_ =	shalt  }
0x4b: {  	_ =	shalt  }
0x4c: {  	_ =	shalt  }
0x4d: {  	_ =	shalt  }
0x4e: {  	_ =	shalt  }
0x4f: {  	_ =	shalt  }
0x50: {  	_ =	shalt  }
0x51: {  	_ =	shalt  }
0x52: {  	_ =	shalt  }
0x53: {  	_ =	shalt  }
0x54: {  	_ =	shalt  }
0x55: {  	_ =	shalt  }
0x56: {  	_ =	shalt  }
0x57: {  	_ =	shalt  }
0x58: {  	_ =	shalt  }
0x59: {  	_ =	shalt  }
0x5a: {  	_ =	shalt  }
0x5b: {  	_ =	shalt  }
0x5c: {  	_ =	shalt  }
0x5d: {  	_ =	shalt  }
0x5e: {  	_ =	shalt  }
0x5f: {  	_ =	shalt  }
0x60: {  	_ =	shalt  }
0x61: {  	_ =	shalt  }
0x62: {  	_ =	shalt  }
0x63: {  	_ =	shalt  }
0x64: {  	_ =	shalt  }
0x65: {  	_ =	shalt  }
0x66: {  	_ =	shalt  }
0x67: {  	_ =	shalt  }
0x68: {  	_ =	shalt  }
0x69: {  	_ =	shalt  }
0x6a: {  	_ =	shalt  }
0x6b: {  	_ =	shalt  }
0x6c: {  	_ =	shalt  }
0x6d: {  	_ =	shalt  }
0x6e: {  	_ =	shalt  }
0x6f: {  	_ =	shalt  }
0x70: {  	_ =	shalt  }
0x71: {  	_ =	shalt  }
0x72: {  	_ =	shalt  }
0x73: {  	_ =	shalt  }
0x74: {  	_ =	shalt  }
0x75: {  	_ =	shalt  }
0x76: {  	_ =	shalt  }
0x77: {  	_ =	shalt  }
0x78: {  	_ =	shalt  }
0x79: {  	_ =	shalt  }
0x7a: {  	_ =	shalt  }
0x7b: {  	_ =	shalt  }
0x7c: {  	_ =	shalt  }
0x7d: {  	_ =	shalt  }
0x7e: {  	_ =	shalt  }
0x7f: {  	_ =	shalt  }
0x80: {  	_ =	shalt  }
0x81: {  	_ =	shalt  }
0x82: {  	_ =	shalt  }
0x83: {  	_ =	shalt  }
0x84: {  	_ =	shalt  }
0x85: {  	_ =	shalt  }
0x86: {  	_ =	shalt  }
0x87: {  	_ =	shalt  }
.Lfunc_end0:
.L_simem_size_0:
called_computation_lowered:
.L_overlay_start_0:
0x88: {  	s2 =	sld [smem:$0x3FD9]  }
0x89: {  	s3 =	sld [smem:$0x3FFE];
	_ =	sdelay $0x1  }
0x8a: {  	s1 =	srdreg.scid  }
0x8b: {  	s0 =	sand.u32 $0x1, s1  }
0x8c: {  	s16 =	sshll.u32 s0, $0xA;
	s2 =	sadd.s32 s3, s2  }
0x8d: {  	s2 =	sadd.s32 s2, s16  }
0x8e: {  	[smem:$0x3FC6] =	sst s2  }
0x8f: {  	_ = 	snop  }
0x90: {  	(tm) =	ssettm $0x1  }
0x91: {  	s17 =	sld [smem:$0x3FFB];
	_ =	sdelay $0x3  }
0x92: {  	_ =	strace s17  }
0x93: {  	s2 =	sld [smem:$0x3FFC];
	_ =	sdelay $0x3  }
0x94: {  	_ =	strace s2  }
0x95: {  	s2 =	sld [smem:$0x3FFD];
	_ =	sdelay $0x3  }
0x96: {  	_ =	strace s2  }
0x97: {  	_ =	strace $0x8FFFFFFF  }
0x98: {  	s18 =	sld [smem:$0x3FDB];
	_ =	sdelay $0x1  }
0x99: {  	s19 =	simm.s32 $_scs_section_size  }
0x9a: {  	s4 =	simm.s32 $_size__tile_overlayer_lowered;
	s5 =	simm.s32 $_tile_overlayer_lowered  }
0x9b: {  	s22 =	simm.s32 $0x1BFF;
	s21 =	sshll.u32 s5, $0x1;
	s2 =	sadd.s32 s19, s18  }
0x9c: {  	s6 =	simm.s32 $0x0;
	s20 =	sshll.u32 s4, $0x1;
	s4 =	sadd.s32 s21, s2  }
0x9d: {  	[timem:s6], [sflag:s22] =	dma.local [hbm:s4], s20  }
0x9e: {  	_ =	swait.ge [sflag:s22], s20  }
0x9f: {  	s3 =	ssub.s32 $0x0, s20;
	[sflag:s22] =	ssyncset.done $0x0  }
0xa0: {  	[sflag:s22] =	ssyncadd.s32 s3;
	_ =	sdelay $0x1  }
0xa1: {  	s23 =	simm.s32 $0x1B8B  }
0xa2: {  	_ =	swait.ge [sflag:s23], $0x1  }
0xa3: {  	[sflag:s23] =	ssyncset.done $0x0  }
0xa4: {  	s25 =	simm.s32 $0x1B8E;
	s24 =	sld [smem:$0x3FFE];
	[sflag:s23] =	ssyncadd.s32 $0xFFFFFFFF  }
0xa5: {  	s26 =	simm.s32 $execute0_lowered;
	[smem:$0x3FD2] =	sst s25  }
0xa6: {  	s4 =	sshll.u32 s26, $0x1;
	_ =	strace $0x80000046;
	[dreg:$0x1] =	wrdreg $0xFFFFFFFF  }
0xa7: {  	s28 =	simm.s32 $_size_execute0_lowered;
	s2 =	sadd.s32 s2, s4;
	[dreg:$0x0] =	wrdreg $0x0  }
0xa8: {  	s4 =	sshll.u32 s28, $0x1;
	[dreg:$0x2] =	wrdreg s2  }
0xa9: {  	[dreg:$0x3] =	wrdreg s4  }
0xaa: {  	[dreg:$0x4] =	wrdreg $0xC0  }
0xab: {  	_ =	task [dreg:s6], $0x5FFFF  }
0xac: {  	[dreg:$0x1] =	wrdreg $0xFFFFFFFF  }
0xad: {  	[dreg:$0x0] =	wrdreg $0x60  }
0xae: {  	[dreg:$0x2] =	wrdreg s24  }
0xaf: {  	[dreg:$0x3] =	wrdreg $0x9  }
0xb0: {  	_ =	task.clear_ibuf [dreg:s6], $0x4FFFF;
	_ =	strace $0x90000046  }
0xb1: {  	s29 =	simm.s32 $0x9;
	_ =	strace $0x80000048  }
0xb2: {  	_ =	swait.ge [sflag:s29], $0x1  }
0xb3: {  	[sflag:s29] =	ssyncadd.s32 $0xFFFFFFFF  }
0xb4: {  	_ =	strace $0x90000048  }
0xb5: {  	_ =	sfence  }
0xb6: {  	s30 =	sld [smem:$0x0];
	_ =	sdelay $0x2  }
0xb7: {  	s31 =	sshll.u32 s1, $0xD;
	s1 =	sshrl.u32 s1, $0x2  }
0xb8: {  	s3 =	sand.u32 $0x4000, s31;
	s1 =	sadd.s32 s1, s30  }
0xb9: {  	s0 =	sor.u32 s3, s0;
	s1 =	sshll.u32 s1, $0x11  }
0xba: {  	s0 =	sor.u32 s1, s0  }
0xbb: {  	s0 =	sadd.s32 $0x8F2B, s0  }
0xbc: {  	[sflag:s0] =	ssyncadd.remote.s32 $0x1  }
0xbd: {  	_ =	sfence.sel $0xFFFF  }
0xbe: {  	[dreg:$0x0] =	wrdreg $0xFFFFFFFF;
	(pc) =	sbr.abs _section_cstart, $3  }
0xbf: {  	[dreg:$0x1] =	wrdreg $0xFFFFFFFF  }
0xc0: {  	_ =	task.clear_ibuf [dreg:s6], $0x2FFFF;
	_ =	strace $0x9FFFFFFF  }
0xc1: {  	(tm) =	ssettm $0x7FFFFFFF  }
tec
execute0_lowered:
.L_overlay_start_1:
0x0: {  	(tag) =	ssettag $0x1  }
0x1: {  	s4 =	rddreg [dreg:$0x0]  }
0x2: {  	s0 =	rddreg [dreg:$0x1]  }
0x3: {  	s3 =	srdreg.scid;
	s2 =	simm.s32 $0x0;
	s1 =	stileid.u32  }
0x4: {  	s12 =	simm.s32 $0x1;
	s13 =	simm.s32 $0x0;
	s5 =	sand.u32 $0x1, s3  }
0x5: {  	[smem:$0x7FF] =	sst s2;
	s28 =	sshll.u32 s1, $0xC;
	s7 =	sshll.u32 s1, $0xF  }
0x6: {  	s8 =	smul.u32 $0x5000, s1;
	s6 =	sshll.u32 s5, $0xB;
	_ =	strace $0x80000047  }
0x7: {  	s7 =	sadd.s32 s7, s4;
	s29 =	ssub.s32 $0x2, s5;
	s10 =	sshll.u32 s5, $0xE  }
0x8: {  	s11 =	smul.u32 $0x2800, s5;
	s3 =	sor.u32 s6, s28;
	s9 =	sshrl.u32 s29, $0x1  }
0x9: {  	v0 =	vlaneseq.u32;
	s31 =	sadd.s32 s10, s7;
	s10 =	simm.s32 $0x4000;
	s6 =	sadd.s32 s3, s4  }
0xa: {  	v1 =	vor.u32 $0x10, v0;
	v2 =	vor.u32 $0x20, v0;
	v3 =	vor.u32 $0x30, v0;
	s3 =	sadd.s32 $0xC00, s4;
	s30 =	ssub.s32 s29, s9;
	s7 =	sadd.s32 s11, s8  }
0xb: {  	v4 =	vor.u32 $0x40, v0;
	v6 =	vor.u32 $0x60, v0;
	v7 =	vor.u32 $0x70, v0;
	s8 =	simm.s32 $0x2;
	s9 =	simm.s32 $0x10;
	s11 =	simm.s32 $0x4080  }
0xc: {  	v5 =	vor.u32 $0x50, v0;
	v8 =	vor.u32 $0x80, v0;
	v9 =	vor.u32 $0x90, v0;
	s4 =	sadd.s32 $0x500C00, s6;
	s5 =	smax.u32 s30, $0x1;
	s6 =	sadd.s32 $0x510C00, s31  }
.LBB2_1:
0xd: {  	[tilespmem:s2], [sflag:$0x2] =	stream.linear.gather [hbm4b:s4+s2], $0x4000, $0x38;
	[tilespmem:$0x4880] =	vst v63  }
0xe: {  	_ =	swait.ge [sflag:s8], $0x4000  }
0xf: {  	s14 =	sand.u32 $0x3800, s2;
	s15 =	sand.u32 $0x380, s2;
	[sflag:s8] =	ssyncset.done $0x0  }
0x10: {  	s14 =	sor.u32 s15, s14;
	[sflag:s8] =	ssyncadd.s32 $0xFFFFC000  }
0x11: {  	v10 =	vld [tilespmem:s14+$0x10]  }
0x12: {  	v11 =	vld [tilespmem:s14+$0x0];
	_ =	sdelay $0x3  }
0x13: {  	(xrf1) =	vsort.dscd.msk.f32 $0xffff, v10, v1  }
0x14: {  	(xrf1) =	vsort.ascd.msk.f32 $0xffff, v11, v0;
	_ =	sdelay $0xa  }
0x15: {  	v10 =	vld [tilespmem:s14+$0x20];
	_ =	sdelay $0x1  }
0x16: {  	v11, v12, _ =	vpop (xrf1)  }
0x17: {  	v13, v14, _ =	vpop (xrf1)  }
0x18: {  	vm0 =	vgt.f32 v11, v13  }
0x19: {  	(xrf1) =	vsort.dscd.msk.f32 $0xffff, v10, v2;
	v11 =	vsel vm0, v11, v13;
	v12 =	vsel vm0, v12, v14  }
0x1a: {  	(xrf1) =	vsort.ascd.msk.f32 $0xffff, v11, v12;
	_ =	sdelay $0xa  }
0x1b: {  	v10 =	vld [tilespmem:s14+$0x30];
	_ =	sdelay $0x1  }
0x1c: {  	v11, v12, _ =	vpop (xrf1)  }
0x1d: {  	v49, v50, _ =	vpop (xrf1)  }
0x1e: {  	vm8 =	vgt.f32 v11, v49  }
0x1f: {  	(xrf1) =	vsort.dscd.msk.f32 $0xffff, v10, v3;
	v11 =	vsel vm8, v11, v49;
	v12 =	vsel vm8, v12, v50  }
0x20: {  	(xrf1) =	vsort.ascd.msk.f32 $0xffff, v11, v12;
	_ =	sdelay $0xa  }
0x21: {  	v10 =	vld [tilespmem:s14+$0x40];
	_ =	sdelay $0x1  }
0x22: {  	v11, v12, _ =	vpop (xrf1)  }
0x23: {  	v51, v52, _ =	vpop (xrf1)  }
0x24: {  	vm9 =	vgt.f32 v11, v51  }
0x25: {  	(xrf1) =	vsort.dscd.msk.f32 $0xffff, v10, v4;
	v11 =	vsel vm9, v11, v51;
	v12 =	vsel vm9, v12, v52  }
0x26: {  	(xrf1) =	vsort.ascd.msk.f32 $0xffff, v11, v12;
	_ =	sdelay $0xa  }
0x27: {  	v10 =	vld [tilespmem:s14+$0x50];
	_ =	sdelay $0x1  }
0x28: {  	v11, v12, _ =	vpop (xrf1)  }
0x29: {  	v53, v54, _ =	vpop (xrf1)  }
0x2a: {  	vm10 =	vgt.f32 v11, v53  }
0x2b: {  	(xrf1) =	vsort.dscd.msk.f32 $0xffff, v10, v5;
	v11 =	vsel vm10, v11, v53;
	v12 =	vsel vm10, v12, v54  }
0x2c: {  	(xrf1) =	vsort.ascd.msk.f32 $0xffff, v11, v12;
	_ =	sdelay $0xa  }
0x2d: {  	v10 =	vld [tilespmem:s14+$0x60];
	_ =	sdelay $0x1  }
0x2e: {  	v11, v12, _ =	vpop (xrf1)  }
0x2f: {  	v55, v56, _ =	vpop (xrf1)  }
0x30: {  	vm11 =	vgt.f32 v11, v55  }
0x31: {  	(xrf1) =	vsort.dscd.msk.f32 $0xffff, v10, v6;
	v11 =	vsel vm11, v11, v55;
	v12 =	vsel vm11, v12, v56  }
0x32: {  	(xrf1) =	vsort.ascd.msk.f32 $0xffff, v11, v12;
	_ =	sdelay $0xa  }
0x33: {  	v10 =	vld [tilespmem:s14+$0x70];
	_ =	sdelay $0x1  }
0x34: {  	v11, v12, _ =	vpop (xrf1)  }
0x35: {  	v57, v58, _ =	vpop (xrf1)  }
0x36: {  	vm12 =	vgt.f32 v11, v57  }
0x37: {  	(xrf1) =	vsort.dscd.msk.f32 $0xffff, v10, v7;
	v11 =	vsel vm12, v11, v57;
	v12 =	vsel vm12, v12, v58  }
0x38: {  	(xrf1) =	vsort.ascd.msk.f32 $0xffff, v11, v12;
	_ =	sdelay $0xa  }
0x39: {  	v10 =	vld [tilespmem:s14+$0x400];
	_ =	sdelay $0x1  }
0x3a: {  	v11, v12, _ =	vpop (xrf1)  }
0x3b: {  	v59, v60, _ =	vpop (xrf1)  }
0x3c: {  	vm13 =	vgt.f32 v11, v59  }
0x3d: {  	(xrf1) =	vsort.dscd.msk.f32 $0xffff, v10, v8;
	v11 =	vsel vm13, v11, v59;
	v12 =	vsel vm13, v12, v60  }
0x3e: {  	(xrf1) =	vsort.ascd.msk.f32 $0xffff, v11, v12;
	_ =	sdelay $0xa  }
0x3f: {  	v10 =	vld [tilespmem:s14+$0x410];
	_ =	sdelay $0x1  }
0x40: {  	v11, v12, _ =	vpop (xrf1)  }
0x41: {  	v61, v62, _ =	vpop (xrf1)  }
0x42: {  	vm14 =	vgt.f32 v11, v61  }
0x43: {  	(xrf1) =	vsort.dscd.msk.f32 $0xffff, v10, v9;
	v11 =	vsel vm14, v11, v61;
	v12 =	vsel vm14, v12, v62  }
0x44: {  	(xrf1) =	vsort.ascd.msk.f32 $0xffff, v11, v12;
	_ =	sdelay $0xc  }
0x45: {  	v10, v11, _ =	vpop (xrf1)  }
0x46: {  	v12, v63, _ =	vpop (xrf1)  }
0x47: {  	vm15 =	vgt.f32 v10, v12  }
0x48: {  	v10 =	vsel vm15, v10, v12;
	v11 =	vsel vm15, v11, v63  }
0x49: {  	(xrf1) =	vsort.ascd.msk.f32 $0xffff, v10, v11;
	_ =	sdelay $0xd  }
0x4a: {  	_, v10, _ =	vpop (xrf1)  }
0x4b: {  	v10 =	vadd.s32 s7, v10  }
0x4c: {  	[tilespmem:$0x4000] =	vst v10  }
0x4d: {  	[tilespmem:s11], [sflag:$0x1] =	stream.indirect.gather [hbm4b:s3+s9], $0x80, s10, s9, $0xb8;
	[tilespmem:$0x4880] =	vst v63  }
0x4e: {  	_ =	swait.ge [sflag:s12], $0x800  }
0x4f: {  	s31 =	sadd.s32 $0x0, s6;
	s21 =	simm.s32 $0x200;
	[sflag:s12] =	ssyncset.done $0x0  }
0x50: {  	s17 =	simm.s32 $0x80;
	s14 =	simm.s32 $0x100;
	[sflag:s12] =	ssyncadd.s32 $0xFFFFF800  }
0x51: {  	[hbm4b:s31+s2] =	stream.linear.scatter [tilespmem:s11], [sflag:$0x2], $0x800, $0x38;
	[tilespmem:$0x4880] =	vst v63  }
0x52: {  	s15 =	sadd.s32 $0xA0, s7;
	s16 =	sand.u32 $0x3800, s14;
	_ =	swait.ge [sflag:s8], $0x800  }
.LBB2_2:
0x53: {  	s22 =	sand.u32 $0x3800, s21  }
0x54: {  	s20 =	sand.u32 $0x380, s17;
	[sflag:s8] =	ssyncset.done $0x0;
	s19 =	smov.u32 s21  }
0x55: {  	s18 =	sadd.s32 $0x100, s21;
	s20 =	sor.u32 s20, s16;
	[sflag:s8] =	ssyncadd.s32 $0xFFFFF800  }
0x56: {  	p0 =	sne.s32 s21, $0x3F00;
	s16 =	smov.u32 s22;
	v10 =	vld [tilespmem:s20+$0x10]  }
0x57: {  	v11 =	vld [tilespmem:s20+$0x0];
	_ =	sdelay $0x3  }
0x58: {  	(xrf1) =	vsort.dscd.msk.f32 $0xffff, v10, v1  }
0x59: {  	(xrf1) =	vsort.ascd.msk.f32 $0xffff, v11, v0;
	_ =	sdelay $0xa  }
0x5a: {  	v10 =	vld [tilespmem:s20+$0x20];
	_ =	sdelay $0x1  }
0x5b: {  	v11, v12, _ =	vpop (xrf1)  }
0x5c: {  	v13, v14, _ =	vpop (xrf1)  }
0x5d: {  	vm0 =	vgt.f32 v11, v13  }
0x5e: {  	v11 =	vsel vm0, v11, v13;
	v12 =	vsel vm0, v12, v14;
	(xrf1) =	vsort.dscd.msk.f32 $0xffff, v10, v2  }
0x5f: {  	(xrf1) =	vsort.ascd.msk.f32 $0xffff, v11, v12;
	_ =	sdelay $0xa  }
0x60: {  	v10 =	vld [tilespmem:s20+$0x30];
	_ =	sdelay $0x1  }
0x61: {  	v11, v12, _ =	vpop (xrf1)  }
0x62: {  	v13, v14, _ =	vpop (xrf1)  }
0x63: {  	vm0 =	vgt.f32 v11, v13  }
0x64: {  	v11 =	vsel vm0, v11, v13;
	v12 =	vsel vm0, v12, v14;
	(xrf1) =	vsort.dscd.msk.f32 $0xffff, v10, v3  }
0x65: {  	(xrf1) =	vsort.ascd.msk.f32 $0xffff, v11, v12;
	_ =	sdelay $0xa  }
0x66: {  	v10 =	vld [tilespmem:s20+$0x40];
	_ =	sdelay $0x1  }
0x67: {  	v11, v12, _ =	vpop (xrf1)  }
0x68: {  	v13, v14, _ =	vpop (xrf1)  }
0x69: {  	vm0 =	vgt.f32 v11, v13  }
0x6a: {  	v11 =	vsel vm0, v11, v13;
	v12 =	vsel vm0, v12, v14;
	(xrf1) =	vsort.dscd.msk.f32 $0xffff, v10, v4  }
0x6b: {  	(xrf1) =	vsort.ascd.msk.f32 $0xffff, v11, v12;
	_ =	sdelay $0xa  }
0x6c: {  	v10 =	vld [tilespmem:s20+$0x50];
	_ =	sdelay $0x1  }
0x6d: {  	v11, v12, _ =	vpop (xrf1)  }
0x6e: {  	v13, v14, _ =	vpop (xrf1)  }
0x6f: {  	vm0 =	vgt.f32 v11, v13  }
0x70: {  	v11 =	vsel vm0, v11, v13;
	v12 =	vsel vm0, v12, v14;
	(xrf1) =	vsort.dscd.msk.f32 $0xffff, v10, v5  }
0x71: {  	(xrf1) =	vsort.ascd.msk.f32 $0xffff, v11, v12;
	_ =	sdelay $0xa  }
0x72: {  	v10 =	vld [tilespmem:s20+$0x60];
	_ =	sdelay $0x1  }
0x73: {  	v11, v12, _ =	vpop (xrf1)  }
0x74: {  	v13, v14, _ =	vpop (xrf1)  }
0x75: {  	vm0 =	vgt.f32 v11, v13  }
0x76: {  	v11 =	vsel vm0, v11, v13;
	v12 =	vsel vm0, v12, v14;
	(xrf1) =	vsort.dscd.msk.f32 $0xffff, v10, v6  }
0x77: {  	(xrf1) =	vsort.ascd.msk.f32 $0xffff, v11, v12;
	_ =	sdelay $0xa  }
0x78: {  	v10 =	vld [tilespmem:s20+$0x70];
	_ =	sdelay $0x1  }
0x79: {  	v11, v12, _ =	vpop (xrf1)  }
0x7a: {  	v13, v14, _ =	vpop (xrf1)  }
0x7b: {  	vm0 =	vgt.f32 v11, v13  }
0x7c: {  	v11 =	vsel vm0, v11, v13;
	v12 =	vsel vm0, v12, v14;
	(xrf1) =	vsort.dscd.msk.f32 $0xffff, v10, v7  }
0x7d: {  	(xrf1) =	vsort.ascd.msk.f32 $0xffff, v11, v12;
	_ =	sdelay $0xa  }
0x7e: {  	v10 =	vld [tilespmem:s20+$0x400];
	_ =	sdelay $0x1  }
0x7f: {  	v11, v12, _ =	vpop (xrf1)  }
0x80: {  	v13, v14, _ =	vpop (xrf1)  }
0x81: {  	vm0 =	vgt.f32 v11, v13  }
0x82: {  	v11 =	vsel vm0, v11, v13;
	v12 =	vsel vm0, v12, v14;
	(xrf1) =	vsort.dscd.msk.f32 $0xffff, v10, v8  }
0x83: {  	(xrf1) =	vsort.ascd.msk.f32 $0xffff, v11, v12;
	_ =	sdelay $0xa  }
0x84: {  	v10 =	vld [tilespmem:s20+$0x410];
	_ =	sdelay $0x1  }
0x85: {  	v11, v12, _ =	vpop (xrf1)  }
0x86: {  	v13, v14, _ =	vpop (xrf1)  }
0x87: {  	vm0 =	vgt.f32 v11, v13  }
0x88: {  	v11 =	vsel vm0, v11, v13;
	v12 =	vsel vm0, v12, v14;
	(xrf1) =	vsort.dscd.msk.f32 $0xffff, v10, v9  }
0x89: {  	(xrf1) =	vsort.ascd.msk.f32 $0xffff, v11, v12;
	_ =	sdelay $0xc  }
0x8a: {  	v10, v11, _ =	vpop (xrf1)  }
0x8b: {  	v12, v13, _ =	vpop (xrf1)  }
0x8c: {  	vm0 =	vgt.f32 v10, v12  }
0x8d: {  	v10 =	vsel vm0, v10, v12;
	v11 =	vsel vm0, v11, v13  }
0x8e: {  	(xrf1) =	vsort.ascd.msk.f32 $0xffff, v10, v11;
	_ =	sdelay $0xd  }
0x8f: {  	_, v10, _ =	vpop (xrf1)  }
0x90: {  	v10 =	vadd.s32 s15, v10  }
0x91: {  	[tilespmem:$0x4000] =	vst v10  }
0x92: {  	[tilespmem:s11], [sflag:$0x1] =	stream.indirect.gather [hbm4b:s3+s9], $0x80, s10, s9, $0xb8;
	[tilespmem:$0x4880] =	vst v63  }
.Ltmp0:
0x93: {  	_ =	swait.ge [sflag:s12], $0x800;
	(pc) =	sbr.rel @p0 .LBB2_2-.Ltmp0, $4  }
0x94: {  	s20 =	sadd.s32 s14, s6;
	s14 =	smov.u32 s19;
	[sflag:s12] =	ssyncset.done $0x0  }
0x95: {  	s17 =	sadd.s32 $0x80, s17;
	[sflag:s12] =	ssyncadd.s32 $0xFFFFF800  }
0x96: {  	[hbm4b:s20+s2] =	stream.linear.scatter [tilespmem:s11], [sflag:$0x2], $0x800, $0x38;
	[tilespmem:$0x4880] =	vst v63  }
0x97: {  	s21 =	smov.u32 s18;
	s15 =	sadd.s32 $0xA0, s15;
	_ =	swait.ge [sflag:s8], $0x800  }
0x98: {  	s17 =	sand.u32 $0x380, s17;
	[sflag:s8] =	ssyncset.done $0x0  }
0x99: {  	s16 =	sor.u32 s17, s16;
	[sflag:s8] =	ssyncadd.s32 $0xFFFFF800  }
0x9a: {  	v10 =	vld [tilespmem:s16+$0x10]  }
0x9b: {  	v11 =	vld [tilespmem:s16+$0x0];
	_ =	sdelay $0x3  }
0x9c: {  	(xrf1) =	vsort.dscd.msk.f32 $0xffff, v10, v1  }
0x9d: {  	(xrf1) =	vsort.ascd.msk.f32 $0xffff, v11, v0;
	_ =	sdelay $0xa  }
0x9e: {  	v10 =	vld [tilespmem:s16+$0x20];
	_ =	sdelay $0x1  }
0x9f: {  	v11, v12, _ =	vpop (xrf1)  }
0xa0: {  	v13, v14, _ =	vpop (xrf1)  }
0xa1: {  	vm0 =	vgt.f32 v11, v13  }
0xa2: {  	(xrf1) =	vsort.dscd.msk.f32 $0xffff, v10, v2;
	v11 =	vsel vm0, v11, v13;
	v12 =	vsel vm0, v12, v14  }
0xa3: {  	(xrf1) =	vsort.ascd.msk.f32 $0xffff, v11, v12;
	_ =	sdelay $0xa  }
0xa4: {  	v10 =	vld [tilespmem:s16+$0x30];
	_ =	sdelay $0x1  }
0xa5: {  	v11, v12, _ =	vpop (xrf1)  }
0xa6: {  	v49, v50, _ =	vpop (xrf1)  }
0xa7: {  	vm8 =	vgt.f32 v11, v49  }
0xa8: {  	(xrf1) =	vsort.dscd.msk.f32 $0xffff, v10, v3;
	v11 =	vsel vm8, v11, v49;
	v12 =	vsel vm8, v12, v50  }
0xa9: {  	(xrf1) =	vsort.ascd.msk.f32 $0xffff, v11, v12;
	_ =	sdelay $0xa  }
0xaa: {  	v10 =	vld [tilespmem:s16+$0x40];
	_ =	sdelay $0x1  }
0xab: {  	v11, v12, _ =	vpop (xrf1)  }
0xac: {  	v51, v52, _ =	vpop (xrf1)  }
0xad: {  	vm9 =	vgt.f32 v11, v51  }
0xae: {  	(xrf1) =	vsort.dscd.msk.f32 $0xffff, v10, v4;
	v11 =	vsel vm9, v11, v51;
	v12 =	vsel vm9, v12, v52  }
0xaf: {  	(xrf1) =	vsort.ascd.msk.f32 $0xffff, v11, v12;
	_ =	sdelay $0xa  }
0xb0: {  	v10 =	vld [tilespmem:s16+$0x50];
	_ =	sdelay $0x1  }
0xb1: {  	v11, v12, _ =	vpop (xrf1)  }
0xb2: {  	v53, v54, _ =	vpop (xrf1)  }
0xb3: {  	vm10 =	vgt.f32 v11, v53  }
0xb4: {  	(xrf1) =	vsort.dscd.msk.f32 $0xffff, v10, v5;
	v11 =	vsel vm10, v11, v53;
	v12 =	vsel vm10, v12, v54  }
0xb5: {  	(xrf1) =	vsort.ascd.msk.f32 $0xffff, v11, v12;
	_ =	sdelay $0xa  }
0xb6: {  	v10 =	vld [tilespmem:s16+$0x60];
	_ =	sdelay $0x1  }
0xb7: {  	v11, v12, _ =	vpop (xrf1)  }
0xb8: {  	v55, v56, _ =	vpop (xrf1)  }
0xb9: {  	vm11 =	vgt.f32 v11, v55  }
0xba: {  	(xrf1) =	vsort.dscd.msk.f32 $0xffff, v10, v6;
	v11 =	vsel vm11, v11, v55;
	v12 =	vsel vm11, v12, v56  }
0xbb: {  	(xrf1) =	vsort.ascd.msk.f32 $0xffff, v11, v12;
	_ =	sdelay $0xa  }
0xbc: {  	v10 =	vld [tilespmem:s16+$0x70];
	_ =	sdelay $0x1  }
0xbd: {  	v11, v12, _ =	vpop (xrf1)  }
0xbe: {  	v57, v58, _ =	vpop (xrf1)  }
0xbf: {  	vm12 =	vgt.f32 v11, v57  }
0xc0: {  	(xrf1) =	vsort.dscd.msk.f32 $0xffff, v10, v7;
	v11 =	vsel vm12, v11, v57;
	v12 =	vsel vm12, v12, v58  }
0xc1: {  	(xrf1) =	vsort.ascd.msk.f32 $0xffff, v11, v12;
	_ =	sdelay $0xa  }
0xc2: {  	v10 =	vld [tilespmem:s16+$0x400];
	_ =	sdelay $0x1  }
0xc3: {  	v11, v12, _ =	vpop (xrf1)  }
0xc4: {  	v59, v60, _ =	vpop (xrf1)  }
0xc5: {  	vm13 =	vgt.f32 v11, v59  }
0xc6: {  	(xrf1) =	vsort.dscd.msk.f32 $0xffff, v10, v8;
	v11 =	vsel vm13, v11, v59;
	v12 =	vsel vm13, v12, v60  }
0xc7: {  	(xrf1) =	vsort.ascd.msk.f32 $0xffff, v11, v12;
	_ =	sdelay $0xa  }
0xc8: {  	v10 =	vld [tilespmem:s16+$0x410];
	_ =	sdelay $0x1  }
0xc9: {  	v11, v12, _ =	vpop (xrf1)  }
0xca: {  	v61, v62, _ =	vpop (xrf1)  }
0xcb: {  	vm14 =	vgt.f32 v11, v61  }
0xcc: {  	(xrf1) =	vsort.dscd.msk.f32 $0xffff, v10, v9;
	v11 =	vsel vm14, v11, v61;
	v12 =	vsel vm14, v12, v62  }
0xcd: {  	(xrf1) =	vsort.ascd.msk.f32 $0xffff, v11, v12;
	_ =	sdelay $0xc  }
0xce: {  	v10, v11, _ =	vpop (xrf1)  }
0xcf: {  	v12, v63, _ =	vpop (xrf1)  }
0xd0: {  	vm15 =	vgt.f32 v10, v12  }
0xd1: {  	v10 =	vsel vm15, v10, v12;
	v11 =	vsel vm15, v11, v63  }
0xd2: {  	(xrf1) =	vsort.ascd.msk.f32 $0xffff, v10, v11;
	_ =	sdelay $0xd  }
0xd3: {  	_, v10, _ =	vpop (xrf1)  }
0xd4: {  	v10 =	vadd.s32 s15, v10  }
0xd5: {  	[tilespmem:$0x4000] =	vst v10  }
0xd6: {  	[tilespmem:s11], [sflag:$0x1] =	stream.indirect.gather [hbm4b:s3+s9], $0x80, s10, s9, $0xb8;
	[tilespmem:$0x4880] =	vst v63  }
0xd7: {  	s13 =	sadd.s32 $0x1, s13;
	_ =	swait.ge [sflag:s12], $0x800  }
0xd8: {  	p0 =	sne.s32 s13, s5;
	[sflag:s12] =	ssyncset.done $0x0  }
.Ltmp1:
0xd9: {  	s14 =	sadd.s32 s14, s6;
	[sflag:s12] =	ssyncadd.s32 $0xFFFFF800;
	(pc) =	sbr.rel @p0 .LBB2_1-.Ltmp1, $4  }
0xda: {  	[hbm4b:s14+s2] =	stream.linear.scatter [tilespmem:s11], [sflag:$0x2], $0x800, $0x38;
	[tilespmem:$0x4880] =	vst v63  }
0xdb: {  	_ =	swait.ge [sflag:s8], $0x800  }
0xdc: {  	[sflag:s8] =	ssyncset.done $0x0  }
0xdd: {  	[sflag:s8] =	ssyncadd.s32 $0xFFFFF800  }
0xde: {  	_ =	sfence.sel $0x180000  }
0xdf: {  	[bflag:$0x0] =	sbarrier.arrive $0xFFFF  }
0xe0: {  	p0 =	sne.s32 s1, $0x0;
	_ =	strace $0x90000047  }
0xe1: {  	s0 =	sadd.s32 @!p0 $0x100000, s0;
	[bflag:$0x2] =	sbarrier.arrive $0xFFFF  }
0xe2: {  	[sflag:s0] =	ssyncadd.tile.s32 @!p0 $0x1;
	_ =	shalt  }
.Lfunc_end2:
_tile_overlayer_lowered:
.L_overlay_start_2:
0xe3: {  	(tag) =	ssettag $0x2  }
0xe4: {  	s0 =	rddreg [dreg:$0x0];
	s2 =	stileid.u32  }
0xe5: {  	s1 =	rddreg [dreg:$0x1];
	p0 =	sne.s32 s2, $0x0  }
0xe6: {  	s3 =	rddreg [dreg:$0x2];
	[bflag:$0x3] =	sbarrier.arrive $0xFFFF;
	s2 =	simm.s32 @!p0 $0x1C02  }
0xe7: {  	[timem:s3], [sflag:s2] =	dma.local @!p0 [hbm:s0], s1  }
0xe8: {  	s0 =	simm.s32 @!p0 $0x2  }
0xe9: {  	_ =	swait.ge @!p0 [sflag:s0], s1  }
0xea: {  	s1 =	ssub.s32 @!p0 $0x0, s1;
	[sflag:s0] =	ssyncset.done @!p0 $0x0  }
0xeb: {  	[sflag:s0] =	ssyncadd.s32 @!p0 s1  }
0xec: {  	[bflag:$0x3] =	sbarrier.arrive $0xFFFF  }
0xed: {  	_ =	shalt  }

</sc_bundles>
